<compile_context>
chip_gen: v7x
topology: tpu7x:2x2x1
jax: 0.10.2.dev20260603
libtpu: 0.0.44.dev20260713+nightly
codegen_flags: <defaults>
</compile_context>

<pallas_src>
import functools

import jax
import jax.numpy as jnp
from jax import lax
from jax.experimental import pallas as pl
from jax.experimental.pallas import tpu as pltpu
from jax.experimental.pallas import tpu_sc as plsc

NC = 2
NS = 16
NW = NC * NS

B = 4096
D = 64
CHUNK = 128
NBUF = 4
DG = 3
NTB = 2


def _make_gather(n_rows: int, n_l: int):
  assert n_rows == n_l * B and n_rows % (NW * CHUNK * NBUF) == 0
  per_w = n_rows // NW
  n_chunks = per_w // CHUNK

  mesh = plsc.VectorSubcoreMesh(
      core_axis_name="c", subcore_axis_name="s", num_cores=NC,
      num_subcores=NS)

  @functools.partial(
      pl.kernel,
      out_type=jax.ShapeDtypeStruct((n_l, D, B), jnp.float32),
      mesh=mesh,
      compiler_params=pltpu.CompilerParams(
          use_tc_tiling_on_sc=False, needs_layout_passes=False),
      scratch_types=[
          pltpu.VMEM((per_w,), jnp.int32),
          [pltpu.VMEM((CHUNK, D), jnp.float32) for _ in range(NBUF)],
          [pltpu.VMEM((D, CHUNK), jnp.float32) for _ in range(NTB)],
          [pltpu.SemaphoreType.DMA for _ in range(NBUF)],
          [pltpu.SemaphoreType.DMA for _ in range(NTB)],
      ],
  )
  def gather_kernel(idx_hbm, table_hbm, out_hbm, idx_v, rows, tblk,
                    gsems, ssems):
    wid = lax.axis_index("s") * NC + lax.axis_index("c")
    base = wid * per_w
    pltpu.sync_copy(idx_hbm.at[pl.ds(base, per_w)], idx_v)

    def gather(g, buf):
      return pltpu.make_async_copy(
          table_hbm.at[idx_v.at[pl.ds(g * CHUNK, CHUNK)]], rows[buf],
          gsems[buf])

    def store(g, tb):
      t0 = base + g * CHUNK
      return pltpu.make_async_copy(
          tblk[tb],
          out_hbm.at[t0 // B, :, pl.ds(lax.rem(t0, B), CHUNK)],
          ssems[tb])

    def transpose(buf, tb):
      def body(e2, _):
        for sub in range(2):
          e = e2 * 2 + sub
          col = jnp.full((16,), 0, jnp.int32) + e
          for j in range(CHUNK // 16):
            ridx = lax.iota(jnp.int32, 16) + (j * 16)
            vals = plsc.load_gather(rows[buf], [ridx, col])
            tblk[tb][e, pl.ds(j * 16, 16)] = vals
        return 0

      lax.fori_loop(0, D // 2, body, 0)

    for h in range(DG):
      gather(h, h % NBUF).start()

    def body(grp, _):
      for j in range(NBUF):
        g = grp * NBUF + j
        h = g + DG
        bh = (j + DG) % NBUF

        @pl.when(h < n_chunks)
        def _():
          gather(h, bh).start()

        gather(g, j).wait()
        tb = j % NTB

        @pl.when(g >= NTB)
        def _():
          store(g - NTB, tb).wait()

        transpose(j, tb)
        store(g, tb).start()
      return 0

    lax.fori_loop(0, n_chunks // NBUF, body, 0)

    for j in range(NTB):
      store(n_chunks - NTB + j, (n_chunks - NTB + j) % NTB).wait()

  return gather_kernel


def kernel(x, table):
  b, l = x.shape
  n = b * l
  flat = jnp.transpose(x).reshape(n).astype(jnp.int32)
  out = _make_gather(n, l)(flat, table)
  return jnp.transpose(out, (2, 0, 1))

# --- scband reference (transcript-rebuilt; emitter-appended) ---
"""Pipeline reference for scband-token-embedding-17910013624715 (READ-ONLY COPY).

The authoritative reference and input builder live on the scoring server;
editing this copy changes nothing except your own understanding.
"""

import jax, jax.numpy as jnp
import numpy as np

VOCAB = 1000000
N_EMBED = 64
B = 4096
L = 200

def setup_inputs(seed: int = 0) -> dict:
    key = jax.random.key(seed)
    k1, k2 = jax.random.split(key)
    x = jax.random.randint(k1, (B, L), 0, VOCAB, dtype=jnp.int64 if jax.config.jax_enable_x64 else jnp.int32)
    # nn.Embedding default init: N(0, 1)
    table = jax.random.normal(k2, (VOCAB, N_EMBED), dtype=jnp.float32)
    return {"x": x, "table": table}

def reference(x, table):
    # TokenEmbedding with token_embedding_type='basic': nn.Embedding lookup
    return jnp.take(table, x, axis=0)

if __name__ == "__main__":
    import jax
    _d = setup_inputs()
    print(jax.jit(kernel)(*tuple(_d.values())))

</pallas_src>

<mosaic_0001>
#map = affine_map<(d0, d1) -> (0)>
#map1 = affine_map<(d0, d1) -> (0, 0)>
#map2 = affine_map<(d0, d1) -> (0, 0, 0)>
module attributes {stable_mosaic.version = 14 : i64} {
  func.func @gather_kernel(%arg0: i32, %arg1: i32, %arg2: memref<819200xi32, #tpu.memory_space<hbm>>, %arg3: memref<1000000x64xf32, #tpu.memory_space<hbm>>, %arg4: memref<200x64x4096xf32, #tpu.memory_space<hbm>>, %arg5: memref<25600xi32, #tpu.memory_space<vmem>>, %arg6: memref<128x64xf32, #tpu.memory_space<vmem>>, %arg7: memref<128x64xf32, #tpu.memory_space<vmem>>, %arg8: memref<128x64xf32, #tpu.memory_space<vmem>>, %arg9: memref<128x64xf32, #tpu.memory_space<vmem>>, %arg10: memref<64x128xf32, #tpu.memory_space<vmem>>, %arg11: memref<64x128xf32, #tpu.memory_space<vmem>>, %arg12: memref<!tpu.dma_semaphore, #tpu.memory_space<semaphore_mem>>, %arg13: memref<!tpu.dma_semaphore, #tpu.memory_space<semaphore_mem>>, %arg14: memref<!tpu.dma_semaphore, #tpu.memory_space<semaphore_mem>>, %arg15: memref<!tpu.dma_semaphore, #tpu.memory_space<semaphore_mem>>, %arg16: memref<!tpu.dma_semaphore, #tpu.memory_space<semaphore_mem>>, %arg17: memref<!tpu.dma_semaphore, #tpu.memory_space<semaphore_mem>>) attributes {dimension_semantics = [#tpu.dimension_semantics<core_parallel>, #tpu.dimension_semantics<subcore_parallel>], iteration_bounds = array<i64: 2, 16>, scalar_prefetch = 0 : i64, scratch_operands = 13 : i64, tpu.core_type = #tpu.core_type<sc_vector_subcore>, window_params = [{transform_indices = #map}, {transform_indices = #map1}, {transform_indices = #map2}]} {
    %mul3A = arith.constant 2 : i32
    %mul3A_0 = arith.muli %arg1, %mul3A : i32
    %add3A = arith.addi %mul3A_0, %arg0 : i32
    %mul3A_1 = arith.constant 25600 : i32
    %mul3A_2 = arith.muli %add3A, %mul3A_1 : i32
    "tpu.region"() ({
      %run_scoped3A = tpu.sem_alloc : memref<!tpu.dma_semaphore, #tpu.memory_space<semaphore_mem>>
      %dma_start3A_82 = tpu.memref_slice %arg2[%mul3A_2] : memref<819200xi32, #tpu.memory_space<hbm>> -> memref<25600xi32, #tpu.memory_space<hbm>>
      %dma_start3A_83 = tpu.memref_slice %arg2[%mul3A_2] : memref<819200xi32, #tpu.memory_space<hbm>> -> memref<25600xi32, #tpu.memory_space<hbm>>
      tpu.enqueue_dma source(%dma_start3A_83 : memref<25600xi32, #tpu.memory_space<hbm>>) target(%arg5 : memref<25600xi32, #tpu.memory_space<vmem>>) target_semaphore(%run_scoped3A : memref<!tpu.dma_semaphore, #tpu.memory_space<semaphore_mem>>)
      %dma_wait3A_84 = tpu.memref_slice %arg2[%mul3A_2] : memref<819200xi32, #tpu.memory_space<hbm>> -> memref<25600xi32, #tpu.memory_space<hbm>>
      %dma_wait3A_85 = tpu.memref_slice %arg2[%mul3A_2] : memref<819200xi32, #tpu.memory_space<hbm>> -> memref<25600xi32, #tpu.memory_space<hbm>>
      tpu.wait_dma2 semaphore(%run_scoped3A : memref<!tpu.dma_semaphore, #tpu.memory_space<semaphore_mem>>) src(%dma_wait3A_85 : memref<25600xi32, #tpu.memory_space<hbm>>) dst(%arg5 : memref<25600xi32, #tpu.memory_space<vmem>>)
      tpu.yield
    }) : () -> ()
    %dma_start3A = arith.constant 0 : i32
    %dma_start3A_3 = tpu.memref_slice %arg5[%dma_start3A] : memref<25600xi32, #tpu.memory_space<vmem>> -> memref<128xi32, #tpu.memory_space<vmem>>
    %dma_start3A_4 = arith.constant 0 : i32
    %dma_start3A_5 = arith.constant 0 : i32
    %dma_start3A_6 = tpu.memref_slice %arg3[%dma_start3A_4, %dma_start3A_5] : memref<1000000x64xf32, #tpu.memory_space<hbm>> -> memref<1000000x64xf32, #tpu.memory_space<hbm>>
    tpu.enqueue_indirect_dma source(%dma_start3A_6 : memref<1000000x64xf32, #tpu.memory_space<hbm>>) target(%arg6 : memref<128x64xf32, #tpu.memory_space<vmem>>) offsets(%dma_start3A_3 : memref<128xi32, #tpu.memory_space<vmem>>) semaphore(%arg12 : memref<!tpu.dma_semaphore, #tpu.memory_space<semaphore_mem>>)
    %dma_start3A_7 = arith.constant 128 : i32
    %dma_start3A_8 = tpu.memref_slice %arg5[%dma_start3A_7] : memref<25600xi32, #tpu.memory_space<vmem>> -> memref<128xi32, #tpu.memory_space<vmem>>
    %dma_start3A_9 = arith.constant 0 : i32
    %dma_start3A_10 = arith.constant 0 : i32
    %dma_start3A_11 = tpu.memref_slice %arg3[%dma_start3A_9, %dma_start3A_10] : memref<1000000x64xf32, #tpu.memory_space<hbm>> -> memref<1000000x64xf32, #tpu.memory_space<hbm>>
    tpu.enqueue_indirect_dma source(%dma_start3A_11 : memref<1000000x64xf32, #tpu.memory_space<hbm>>) target(%arg7 : memref<128x64xf32, #tpu.memory_space<vmem>>) offsets(%dma_start3A_8 : memref<128xi32, #tpu.memory_space<vmem>>) semaphore(%arg13 : memref<!tpu.dma_semaphore, #tpu.memory_space<semaphore_mem>>)
    %dma_start3A_12 = arith.constant 256 : i32
    %dma_start3A_13 = tpu.memref_slice %arg5[%dma_start3A_12] : memref<25600xi32, #tpu.memory_space<vmem>> -> memref<128xi32, #tpu.memory_space<vmem>>
    %dma_start3A_14 = arith.constant 0 : i32
    %dma_start3A_15 = arith.constant 0 : i32
    %dma_start3A_16 = tpu.memref_slice %arg3[%dma_start3A_14, %dma_start3A_15] : memref<1000000x64xf32, #tpu.memory_space<hbm>> -> memref<1000000x64xf32, #tpu.memory_space<hbm>>
    tpu.enqueue_indirect_dma source(%dma_start3A_16 : memref<1000000x64xf32, #tpu.memory_space<hbm>>) target(%arg8 : memref<128x64xf32, #tpu.memory_space<vmem>>) offsets(%dma_start3A_13 : memref<128xi32, #tpu.memory_space<vmem>>) semaphore(%arg14 : memref<!tpu.dma_semaphore, #tpu.memory_space<semaphore_mem>>)
    %scan3A = arith.constant 0 : i32
    %scan3A_17 = arith.constant 0 : i32
    %scan3A_18 = arith.constant 50 : i32
    %scan3A_19 = arith.addi %scan3A_17, %scan3A_18 : i32
    %scan3A_20 = arith.constant 1 : i32
    %scan3A_21 = scf.for %scan3A_82 = %scan3A_17 to %scan3A_19 step %scan3A_20 iter_args(%scan3A_83 = %scan3A) -> (i32)  : i32 {
      %mul3A_84 = arith.constant 4 : i32
      %mul3A_85 = arith.muli %scan3A_82, %mul3A_84 : i32
      %add3A_86 = arith.constant 0 : i32
      %add3A_87 = arith.addi %mul3A_85, %add3A_86 : i32
      %add3A_88 = arith.constant 3 : i32
      %add3A_89 = arith.addi %add3A_87, %add3A_88 : i32
      %lt3A = arith.constant 200 : i32
      %lt3A_90 = arith.cmpi slt, %add3A_89, %lt3A : i32
      %convert_element_type3A = arith.extui %lt3A_90 : i1 to i32
      %cond3A = arith.constant 0 : i32
      %cond3A_91 = arith.cmpi ne, %convert_element_type3A, %cond3A : i32
      scf.if %cond3A_91 {
        %mul3A_337 = arith.constant 128 : i32
        %mul3A_338 = arith.muli %add3A_89, %mul3A_337 : i32
        %dma_start3A_339 = tpu.memref_slice %arg5[%mul3A_338] : memref<25600xi32, #tpu.memory_space<vmem>> -> memref<128xi32, #tpu.memory_space<vmem>>
        %dma_start3A_340 = arith.constant 0 : i32
        %dma_start3A_341 = arith.constant 0 : i32
        %dma_start3A_342 = tpu.memref_slice %arg3[%dma_start3A_340, %dma_start3A_341] : memref<1000000x64xf32, #tpu.memory_space<hbm>> -> memref<1000000x64xf32, #tpu.memory_space<hbm>>
        tpu.enqueue_indirect_dma source(%dma_start3A_342 : memref<1000000x64xf32, #tpu.memory_space<hbm>>) target(%arg9 : memref<128x64xf32, #tpu.memory_space<vmem>>) offsets(%dma_start3A_339 : memref<128xi32, #tpu.memory_space<vmem>>) semaphore(%arg15 : memref<!tpu.dma_semaphore, #tpu.memory_space<semaphore_mem>>)
      } else {
      }
      %mul3A_92 = arith.constant 128 : i32
      %mul3A_93 = arith.muli %add3A_87, %mul3A_92 : i32
      %dma_wait3A_94 = tpu.memref_slice %arg5[%mul3A_93] : memref<25600xi32, #tpu.memory_space<vmem>> -> memref<128xi32, #tpu.memory_space<vmem>>
      %dma_wait3A_95 = arith.constant 0 : i32
      %dma_wait3A_96 = arith.constant 0 : i32
      %dma_wait3A_97 = tpu.memref_slice %arg3[%dma_wait3A_95, %dma_wait3A_96] : memref<1000000x64xf32, #tpu.memory_space<hbm>> -> memref<1000000x64xf32, #tpu.memory_space<hbm>>
      tpu.wait_indirect_dma semaphore(%arg12 : memref<!tpu.dma_semaphore, #tpu.memory_space<semaphore_mem>>) src(%dma_wait3A_97 : memref<1000000x64xf32, #tpu.memory_space<hbm>>) dst(%arg6 : memref<128x64xf32, #tpu.memory_space<vmem>>)
      %ge3A = arith.constant 2 : i32
      %ge3A_98 = arith.cmpi sge, %add3A_87, %ge3A : i32
      %convert_element_type3A_99 = arith.extui %ge3A_98 : i1 to i32
      %cond3A_100 = arith.constant 0 : i32
      %cond3A_101 = arith.cmpi ne, %convert_element_type3A_99, %cond3A_100 : i32
      scf.if %cond3A_101 {
        %sub3A_337 = arith.constant 2 : i32
        %sub3A_338 = arith.subi %add3A_87, %sub3A_337 : i32
        %mul3A_339 = arith.constant 128 : i32
        %mul3A_340 = arith.muli %sub3A_338, %mul3A_339 : i32
        %add3A_341 = arith.addi %mul3A_2, %mul3A_340 : i32
        %jit3A_342 = arith.constant 4096 : i32
        %div3A_343 = arith.divsi %add3A_341, %jit3A_342 : i32
        %sign3A_344 = arith.constant 0 : i32
        %sign3A_345 = arith.cmpi sgt, %add3A_341, %sign3A_344 : i32
        %sign3A_346 = arith.extui %sign3A_345 : i1 to i32
        %sign3A_347 = arith.constant 0 : i32
        %sign3A_348 = arith.cmpi slt, %add3A_341, %sign3A_347 : i32
        %sign3A_349 = arith.extui %sign3A_348 : i1 to i32
        %sign3A_350 = arith.subi %sign3A_346, %sign3A_349 : i32
        %sign3A_351 = arith.constant 0 : i32
        %sign3A_352 = arith.cmpi sgt, %jit3A_342, %sign3A_351 : i32
        %sign3A_353 = arith.extui %sign3A_352 : i1 to i32
        %sign3A_354 = arith.constant 0 : i32
        %sign3A_355 = arith.cmpi slt, %jit3A_342, %sign3A_354 : i32
        %sign3A_356 = arith.extui %sign3A_355 : i1 to i32
        %sign3A_357 = arith.subi %sign3A_353, %sign3A_356 : i32
        %ne3A_358 = arith.cmpi ne, %sign3A_350, %sign3A_357 : i32
        %rem3A_359 = arith.remsi %add3A_341, %jit3A_342 : i32
        %ne3A_360 = arith.constant 0 : i32
        %ne3A_361 = arith.cmpi ne, %rem3A_359, %ne3A_360 : i32
        %and3A_362 = arith.andi %ne3A_358, %ne3A_361 : i1
        %sub3A_363 = arith.constant 1 : i32
        %sub3A_364 = arith.subi %div3A_343, %sub3A_363 : i32
        %select_n3A_365 = arith.select %and3A_362, %sub3A_364, %div3A_343 : i32
        %rem3A_366 = arith.constant 4096 : i32
        %rem3A_367 = arith.remsi %add3A_341, %rem3A_366 : i32
        %dma_wait3A_368 = arith.constant 0 : i32
        %dma_wait3A_369 = tpu.memref_slice %arg4[%select_n3A_365, %dma_wait3A_368, %rem3A_367] : memref<200x64x4096xf32, #tpu.memory_space<hbm>> -> memref<1x64x128xf32, #tpu.memory_space<hbm>>
        %dma_wait3A_370 = tpu.memref_squeeze %dma_wait3A_369 : memref<1x64x128xf32, #tpu.memory_space<hbm>> -> memref<64x128xf32, #tpu.memory_space<hbm>>
        %dma_wait3A_371 = arith.constant 0 : i32
        %dma_wait3A_372 = tpu.memref_slice %arg4[%select_n3A_365, %dma_wait3A_371, %rem3A_367] : memref<200x64x4096xf32, #tpu.memory_space<hbm>> -> memref<1x64x128xf32, #tpu.memory_space<hbm>>
        %dma_wait3A_373 = tpu.memref_squeeze %dma_wait3A_372 : memref<1x64x128xf32, #tpu.memory_space<hbm>> -> memref<64x128xf32, #tpu.memory_space<hbm>>
        tpu.wait_dma2 semaphore(%arg16 : memref<!tpu.dma_semaphore, #tpu.memory_space<semaphore_mem>>) src(%arg10 : memref<64x128xf32, #tpu.memory_space<vmem>>) dst(%dma_wait3A_373 : memref<64x128xf32, #tpu.memory_space<hbm>>)
      } else {
      }
      %scan3A_102 = arith.constant 0 : i32
      %scan3A_103 = arith.constant 0 : i32
      %scan3A_104 = arith.constant 32 : i32
      %scan3A_105 = arith.addi %scan3A_103, %scan3A_104 : i32
      %scan3A_106 = arith.constant 1 : i32
      %scan3A_107 = scf.for %scan3A_337 = %scan3A_103 to %scan3A_105 step %scan3A_106 iter_args(%scan3A_338 = %scan3A_102) -> (i32)  : i32 {
        %mul3A_339 = arith.constant 2 : i32
        %mul3A_340 = arith.muli %scan3A_337, %mul3A_339 : i32
        %add3A_341 = arith.constant 0 : i32
        %add3A_342 = arith.addi %mul3A_340, %add3A_341 : i32
        %broadcast_in_dim3A = arith.constant 0 : i32
        %broadcast_in_dim3A_343 = vector.broadcast %broadcast_in_dim3A : i32 to vector<16xi32>
        %add3A_344 = vector.broadcast %add3A_342 : i32 to vector<16xi32>
        %add3A_345 = arith.addi %broadcast_in_dim3A_343, %add3A_344 : vector<16xi32>
        %iota3A = tpu.iota {dimensions = array<i32: 0>} : vector<16xi32>
        %add3A_346 = arith.constant 0 : i32
        %add3A_347 = vector.broadcast %add3A_346 : i32 to vector<16xi32>
        %add3A_348 = arith.addi %iota3A, %add3A_347 : vector<16xi32>
        %gather3A = tpu.vector_load_idx %arg6[%add3A_348, %add3A_345] : memref<128x64xf32, #tpu.memory_space<vmem>>[vector<16xi32>, vector<16xi32>], vector<16xf32>,
        %swap3A = arith.index_cast %add3A_342 : i32 to index
        %swap3A_349 = arith.constant 0 : index
        %swap3A_350 = tpu.vector_load %arg10[%swap3A, %swap3A_349] {strides = array<i32>} : memref<64x128xf32, #tpu.memory_space<vmem>>, vector<16xf32>,
        tpu.vector_store %arg10[%swap3A, %swap3A_349], %gather3A {strides = array<i32>} : memref<64x128xf32, #tpu.memory_space<vmem>>, vector<16xf32>,
        %iota3A_351 = tpu.iota {dimensions = array<i32: 0>} : vector<16xi32>
        %add3A_352 = arith.constant 16 : i32
        %add3A_353 = vector.broadcast %add3A_352 : i32 to vector<16xi32>
        %add3A_354 = arith.addi %iota3A_351, %add3A_353 : vector<16xi32>
        %gather3A_355 = tpu.vector_load_idx %arg6[%add3A_354, %add3A_345] : memref<128x64xf32, #tpu.memory_space<vmem>>[vector<16xi32>, vector<16xi32>], vector<16xf32>,
        %swap3A_356 = arith.index_cast %add3A_342 : i32 to index
        %swap3A_357 = arith.constant 16 : index
        %swap3A_358 = tpu.vector_load %arg10[%swap3A_356, %swap3A_357] {strides = array<i32>} : memref<64x128xf32, #tpu.memory_space<vmem>>, vector<16xf32>,
        tpu.vector_store %arg10[%swap3A_356, %swap3A_357], %gather3A_355 {strides = array<i32>} : memref<64x128xf32, #tpu.memory_space<vmem>>, vector<16xf32>,
        %iota3A_359 = tpu.iota {dimensions = array<i32: 0>} : vector<16xi32>
        %add3A_360 = arith.constant 32 : i32
        %add3A_361 = vector.broadcast %add3A_360 : i32 to vector<16xi32>
        %add3A_362 = arith.addi %iota3A_359, %add3A_361 : vector<16xi32>
        %gather3A_363 = tpu.vector_load_idx %arg6[%add3A_362, %add3A_345] : memref<128x64xf32, #tpu.memory_space<vmem>>[vector<16xi32>, vector<16xi32>], vector<16xf32>,
        %swap3A_364 = arith.index_cast %add3A_342 : i32 to index
        %swap3A_365 = arith.constant 32 : index
        %swap3A_366 = tpu.vector_load %arg10[%swap3A_364, %swap3A_365] {strides = array<i32>} : memref<64x128xf32, #tpu.memory_space<vmem>>, vector<16xf32>,
        tpu.vector_store %arg10[%swap3A_364, %swap3A_365], %gather3A_363 {strides = array<i32>} : memref<64x128xf32, #tpu.memory_space<vmem>>, vector<16xf32>,
        %iota3A_367 = tpu.iota {dimensions = array<i32: 0>} : vector<16xi32>
        %add3A_368 = arith.constant 48 : i32
        %add3A_369 = vector.broadcast %add3A_368 : i32 to vector<16xi32>
        %add3A_370 = arith.addi %iota3A_367, %add3A_369 : vector<16xi32>
        %gather3A_371 = tpu.vector_load_idx %arg6[%add3A_370, %add3A_345] : memref<128x64xf32, #tpu.memory_space<vmem>>[vector<16xi32>, vector<16xi32>], vector<16xf32>,
        %swap3A_372 = arith.index_cast %add3A_342 : i32 to index
        %swap3A_373 = arith.constant 48 : index
        %swap3A_374 = tpu.vector_load %arg10[%swap3A_372, %swap3A_373] {strides = array<i32>} : memref<64x128xf32, #tpu.memory_space<vmem>>, vector<16xf32>,
        tpu.vector_store %arg10[%swap3A_372, %swap3A_373], %gather3A_371 {strides = array<i32>} : memref<64x128xf32, #tpu.memory_space<vmem>>, vector<16xf32>,
        %iota3A_375 = tpu.iota {dimensions = array<i32: 0>} : vector<16xi32>
        %add3A_376 = arith.constant 64 : i32
        %add3A_377 = vector.broadcast %add3A_376 : i32 to vector<16xi32>
        %add3A_378 = arith.addi %iota3A_375, %add3A_377 : vector<16xi32>
        %gather3A_379 = tpu.vector_load_idx %arg6[%add3A_378, %add3A_345] : memref<128x64xf32, #tpu.memory_space<vmem>>[vector<16xi32>, vector<16xi32>], vector<16xf32>,
        %swap3A_380 = arith.index_cast %add3A_342 : i32 to index
        %swap3A_381 = arith.constant 64 : index
        %swap3A_382 = tpu.vector_load %arg10[%swap3A_380, %swap3A_381] {strides = array<i32>} : memref<64x128xf32, #tpu.memory_space<vmem>>, vector<16xf32>,
        tpu.vector_store %arg10[%swap3A_380, %swap3A_381], %gather3A_379 {strides = array<i32>} : memref<64x128xf32, #tpu.memory_space<vmem>>, vector<16xf32>,
        %iota3A_383 = tpu.iota {dimensions = array<i32: 0>} : vector<16xi32>
        %add3A_384 = arith.constant 80 : i32
        %add3A_385 = vector.broadcast %add3A_384 : i32 to vector<16xi32>
        %add3A_386 = arith.addi %iota3A_383, %add3A_385 : vector<16xi32>
        %gather3A_387 = tpu.vector_load_idx %arg6[%add3A_386, %add3A_345] : memref<128x64xf32, #tpu.memory_space<vmem>>[vector<16xi32>, vector<16xi32>], vector<16xf32>,
        %swap3A_388 = arith.index_cast %add3A_342 : i32 to index
        %swap3A_389 = arith.constant 80 : index
        %swap3A_390 = tpu.vector_load %arg10[%swap3A_388, %swap3A_389] {strides = array<i32>} : memref<64x128xf32, #tpu.memory_space<vmem>>, vector<16xf32>,
        tpu.vector_store %arg10[%swap3A_388, %swap3A_389], %gather3A_387 {strides = array<i32>} : memref<64x128xf32, #tpu.memory_space<vmem>>, vector<16xf32>,
        %iota3A_391 = tpu.iota {dimensions = array<i32: 0>} : vector<16xi32>
        %add3A_392 = arith.constant 96 : i32
        %add3A_393 = vector.broadcast %add3A_392 : i32 to vector<16xi32>
        %add3A_394 = arith.addi %iota3A_391, %add3A_393 : vector<16xi32>
        %gather3A_395 = tpu.vector_load_idx %arg6[%add3A_394, %add3A_345] : memref<128x64xf32, #tpu.memory_space<vmem>>[vector<16xi32>, vector<16xi32>], vector<16xf32>,
        %swap3A_396 = arith.index_cast %add3A_342 : i32 to index
        %swap3A_397 = arith.constant 96 : index
        %swap3A_398 = tpu.vector_load %arg10[%swap3A_396, %swap3A_397] {strides = array<i32>} : memref<64x128xf32, #tpu.memory_space<vmem>>, vector<16xf32>,
        tpu.vector_store %arg10[%swap3A_396, %swap3A_397], %gather3A_395 {strides = array<i32>} : memref<64x128xf32, #tpu.memory_space<vmem>>, vector<16xf32>,
        %iota3A_399 = tpu.iota {dimensions = array<i32: 0>} : vector<16xi32>
        %add3A_400 = arith.constant 112 : i32
        %add3A_401 = vector.broadcast %add3A_400 : i32 to vector<16xi32>
        %add3A_402 = arith.addi %iota3A_399, %add3A_401 : vector<16xi32>
        %gather3A_403 = tpu.vector_load_idx %arg6[%add3A_402, %add3A_345] : memref<128x64xf32, #tpu.memory_space<vmem>>[vector<16xi32>, vector<16xi32>], vector<16xf32>,
        %swap3A_404 = arith.index_cast %add3A_342 : i32 to index
        %swap3A_405 = arith.constant 112 : index
        %swap3A_406 = tpu.vector_load %arg10[%swap3A_404, %swap3A_405] {strides = array<i32>} : memref<64x128xf32, #tpu.memory_space<vmem>>, vector<16xf32>,
        tpu.vector_store %arg10[%swap3A_404, %swap3A_405], %gather3A_403 {strides = array<i32>} : memref<64x128xf32, #tpu.memory_space<vmem>>, vector<16xf32>,
        %mul3A_407 = arith.constant 2 : i32
        %mul3A_408 = arith.muli %scan3A_337, %mul3A_407 : i32
        %add3A_409 = arith.constant 1 : i32
        %add3A_410 = arith.addi %mul3A_408, %add3A_409 : i32
        %broadcast_in_dim3A_411 = arith.constant 0 : i32
        %broadcast_in_dim3A_412 = vector.broadcast %broadcast_in_dim3A_411 : i32 to vector<16xi32>
        %add3A_413 = vector.broadcast %add3A_410 : i32 to vector<16xi32>
        %add3A_414 = arith.addi %broadcast_in_dim3A_412, %add3A_413 : vector<16xi32>
        %iota3A_415 = tpu.iota {dimensions = array<i32: 0>} : vector<16xi32>
        %add3A_416 = arith.constant 0 : i32
        %add3A_417 = vector.broadcast %add3A_416 : i32 to vector<16xi32>
        %add3A_418 = arith.addi %iota3A_415, %add3A_417 : vector<16xi32>
        %gather3A_419 = tpu.vector_load_idx %arg6[%add3A_418, %add3A_414] : memref<128x64xf32, #tpu.memory_space<vmem>>[vector<16xi32>, vector<16xi32>], vector<16xf32>,
        %swap3A_420 = arith.index_cast %add3A_410 : i32 to index
        %swap3A_421 = arith.constant 0 : index
        %swap3A_422 = tpu.vector_load %arg10[%swap3A_420, %swap3A_421] {strides = array<i32>} : memref<64x128xf32, #tpu.memory_space<vmem>>, vector<16xf32>,
        tpu.vector_store %arg10[%swap3A_420, %swap3A_421], %gather3A_419 {strides = array<i32>} : memref<64x128xf32, #tpu.memory_space<vmem>>, vector<16xf32>,
        %iota3A_423 = tpu.iota {dimensions = array<i32: 0>} : vector<16xi32>
        %add3A_424 = arith.constant 16 : i32
        %add3A_425 = vector.broadcast %add3A_424 : i32 to vector<16xi32>
        %add3A_426 = arith.addi %iota3A_423, %add3A_425 : vector<16xi32>
        %gather3A_427 = tpu.vector_load_idx %arg6[%add3A_426, %add3A_414] : memref<128x64xf32, #tpu.memory_space<vmem>>[vector<16xi32>, vector<16xi32>], vector<16xf32>,
        %swap3A_428 = arith.index_cast %add3A_410 : i32 to index
        %swap3A_429 = arith.constant 16 : index
        %swap3A_430 = tpu.vector_load %arg10[%swap3A_428, %swap3A_429] {strides = array<i32>} : memref<64x128xf32, #tpu.memory_space<vmem>>, vector<16xf32>,
        tpu.vector_store %arg10[%swap3A_428, %swap3A_429], %gather3A_427 {strides = array<i32>} : memref<64x128xf32, #tpu.memory_space<vmem>>, vector<16xf32>,
        %iota3A_431 = tpu.iota {dimensions = array<i32: 0>} : vector<16xi32>
        %add3A_432 = arith.constant 32 : i32
        %add3A_433 = vector.broadcast %add3A_432 : i32 to vector<16xi32>
        %add3A_434 = arith.addi %iota3A_431, %add3A_433 : vector<16xi32>
        %gather3A_435 = tpu.vector_load_idx %arg6[%add3A_434, %add3A_414] : memref<128x64xf32, #tpu.memory_space<vmem>>[vector<16xi32>, vector<16xi32>], vector<16xf32>,
        %swap3A_436 = arith.index_cast %add3A_410 : i32 to index
        %swap3A_437 = arith.constant 32 : index
        %swap3A_438 = tpu.vector_load %arg10[%swap3A_436, %swap3A_437] {strides = array<i32>} : memref<64x128xf32, #tpu.memory_space<vmem>>, vector<16xf32>,
        tpu.vector_store %arg10[%swap3A_436, %swap3A_437], %gather3A_435 {strides = array<i32>} : memref<64x128xf32, #tpu.memory_space<vmem>>, vector<16xf32>,
        %iota3A_439 = tpu.iota {dimensions = array<i32: 0>} : vector<16xi32>
        %add3A_440 = arith.constant 48 : i32
        %add3A_441 = vector.broadcast %add3A_440 : i32 to vector<16xi32>
        %add3A_442 = arith.addi %iota3A_439, %add3A_441 : vector<16xi32>
        %gather3A_443 = tpu.vector_load_idx %arg6[%add3A_442, %add3A_414] : memref<128x64xf32, #tpu.memory_space<vmem>>[vector<16xi32>, vector<16xi32>], vector<16xf32>,
        %swap3A_444 = arith.index_cast %add3A_410 : i32 to index
        %swap3A_445 = arith.constant 48 : index
        %swap3A_446 = tpu.vector_load %arg10[%swap3A_444, %swap3A_445] {strides = array<i32>} : memref<64x128xf32, #tpu.memory_space<vmem>>, vector<16xf32>,
        tpu.vector_store %arg10[%swap3A_444, %swap3A_445], %gather3A_443 {strides = array<i32>} : memref<64x128xf32, #tpu.memory_space<vmem>>, vector<16xf32>,
        %iota3A_447 = tpu.iota {dimensions = array<i32: 0>} : vector<16xi32>
        %add3A_448 = arith.constant 64 : i32
        %add3A_449 = vector.broadcast %add3A_448 : i32 to vector<16xi32>
        %add3A_450 = arith.addi %iota3A_447, %add3A_449 : vector<16xi32>
        %gather3A_451 = tpu.vector_load_idx %arg6[%add3A_450, %add3A_414] : memref<128x64xf32, #tpu.memory_space<vmem>>[vector<16xi32>, vector<16xi32>], vector<16xf32>,
        %swap3A_452 = arith.index_cast %add3A_410 : i32 to index
        %swap3A_453 = arith.constant 64 : index
        %swap3A_454 = tpu.vector_load %arg10[%swap3A_452, %swap3A_453] {strides = array<i32>} : memref<64x128xf32, #tpu.memory_space<vmem>>, vector<16xf32>,
        tpu.vector_store %arg10[%swap3A_452, %swap3A_453], %gather3A_451 {strides = array<i32>} : memref<64x128xf32, #tpu.memory_space<vmem>>, vector<16xf32>,
        %iota3A_455 = tpu.iota {dimensions = array<i32: 0>} : vector<16xi32>
        %add3A_456 = arith.constant 80 : i32
        %add3A_457 = vector.broadcast %add3A_456 : i32 to vector<16xi32>
        %add3A_458 = arith.addi %iota3A_455, %add3A_457 : vector<16xi32>
        %gather3A_459 = tpu.vector_load_idx %arg6[%add3A_458, %add3A_414] : memref<128x64xf32, #tpu.memory_space<vmem>>[vector<16xi32>, vector<16xi32>], vector<16xf32>,
        %swap3A_460 = arith.index_cast %add3A_410 : i32 to index
        %swap3A_461 = arith.constant 80 : index
        %swap3A_462 = tpu.vector_load %arg10[%swap3A_460, %swap3A_461] {strides = array<i32>} : memref<64x128xf32, #tpu.memory_space<vmem>>, vector<16xf32>,
        tpu.vector_store %arg10[%swap3A_460, %swap3A_461], %gather3A_459 {strides = array<i32>} : memref<64x128xf32, #tpu.memory_space<vmem>>, vector<16xf32>,
        %iota3A_463 = tpu.iota {dimensions = array<i32: 0>} : vector<16xi32>
        %add3A_464 = arith.constant 96 : i32
        %add3A_465 = vector.broadcast %add3A_464 : i32 to vector<16xi32>
        %add3A_466 = arith.addi %iota3A_463, %add3A_465 : vector<16xi32>
        %gather3A_467 = tpu.vector_load_idx %arg6[%add3A_466, %add3A_414] : memref<128x64xf32, #tpu.memory_space<vmem>>[vector<16xi32>, vector<16xi32>], vector<16xf32>,
        %swap3A_468 = arith.index_cast %add3A_410 : i32 to index
        %swap3A_469 = arith.constant 96 : index
        %swap3A_470 = tpu.vector_load %arg10[%swap3A_468, %swap3A_469] {strides = array<i32>} : memref<64x128xf32, #tpu.memory_space<vmem>>, vector<16xf32>,
        tpu.vector_store %arg10[%swap3A_468, %swap3A_469], %gather3A_467 {strides = array<i32>} : memref<64x128xf32, #tpu.memory_space<vmem>>, vector<16xf32>,
        %iota3A_471 = tpu.iota {dimensions = array<i32: 0>} : vector<16xi32>
        %add3A_472 = arith.constant 112 : i32
        %add3A_473 = vector.broadcast %add3A_472 : i32 to vector<16xi32>
        %add3A_474 = arith.addi %iota3A_471, %add3A_473 : vector<16xi32>
        %gather3A_475 = tpu.vector_load_idx %arg6[%add3A_474, %add3A_414] : memref<128x64xf32, #tpu.memory_space<vmem>>[vector<16xi32>, vector<16xi32>], vector<16xf32>,
        %swap3A_476 = arith.index_cast %add3A_410 : i32 to index
        %swap3A_477 = arith.constant 112 : index
        %swap3A_478 = tpu.vector_load %arg10[%swap3A_476, %swap3A_477] {strides = array<i32>} : memref<64x128xf32, #tpu.memory_space<vmem>>, vector<16xf32>,
        tpu.vector_store %arg10[%swap3A_476, %swap3A_477], %gather3A_475 {strides = array<i32>} : memref<64x128xf32, #tpu.memory_space<vmem>>, vector<16xf32>,
        %scan3A_479 = arith.constant 0 : i32
        scf.yield %scan3A_479 : i32
      }
      %scan3A_108 = arith.constant 32 : i32
      %mul3A_109 = arith.constant 128 : i32
      %mul3A_110 = arith.muli %add3A_87, %mul3A_109 : i32
      %add3A_111 = arith.addi %mul3A_2, %mul3A_110 : i32
      %jit3A_112 = arith.constant 4096 : i32
      %div3A_113 = arith.divsi %add3A_111, %jit3A_112 : i32
      %sign3A_114 = arith.constant 0 : i32
      %sign3A_115 = arith.cmpi sgt, %add3A_111, %sign3A_114 : i32
      %sign3A_116 = arith.extui %sign3A_115 : i1 to i32
      %sign3A_117 = arith.constant 0 : i32
      %sign3A_118 = arith.cmpi slt, %add3A_111, %sign3A_117 : i32
      %sign3A_119 = arith.extui %sign3A_118 : i1 to i32
      %sign3A_120 = arith.subi %sign3A_116, %sign3A_119 : i32
      %sign3A_121 = arith.constant 0 : i32
      %sign3A_122 = arith.cmpi sgt, %jit3A_112, %sign3A_121 : i32
      %sign3A_123 = arith.extui %sign3A_122 : i1 to i32
      %sign3A_124 = arith.constant 0 : i32
      %sign3A_125 = arith.cmpi slt, %jit3A_112, %sign3A_124 : i32
      %sign3A_126 = arith.extui %sign3A_125 : i1 to i32
      %sign3A_127 = arith.subi %sign3A_123, %sign3A_126 : i32
      %ne3A_128 = arith.cmpi ne, %sign3A_120, %sign3A_127 : i32
      %rem3A_129 = arith.remsi %add3A_111, %jit3A_112 : i32
      %ne3A_130 = arith.constant 0 : i32
      %ne3A_131 = arith.cmpi ne, %rem3A_129, %ne3A_130 : i32
      %and3A_132 = arith.andi %ne3A_128, %ne3A_131 : i1
      %sub3A_133 = arith.constant 1 : i32
      %sub3A_134 = arith.subi %div3A_113, %sub3A_133 : i32
      %select_n3A_135 = arith.select %and3A_132, %sub3A_134, %div3A_113 : i32
      %rem3A_136 = arith.constant 4096 : i32
      %rem3A_137 = arith.remsi %add3A_111, %rem3A_136 : i32
      %dma_start3A_138 = arith.constant 0 : i32
      %dma_start3A_139 = tpu.memref_slice %arg4[%select_n3A_135, %dma_start3A_138, %rem3A_137] : memref<200x64x4096xf32, #tpu.memory_space<hbm>> -> memref<1x64x128xf32, #tpu.memory_space<hbm>>
      %dma_start3A_140 = tpu.memref_squeeze %dma_start3A_139 : memref<1x64x128xf32, #tpu.memory_space<hbm>> -> memref<64x128xf32, #tpu.memory_space<hbm>>
      %dma_start3A_141 = arith.constant 0 : i32
      %dma_start3A_142 = tpu.memref_slice %arg4[%select_n3A_135, %dma_start3A_141, %rem3A_137] : memref<200x64x4096xf32, #tpu.memory_space<hbm>> -> memref<1x64x128xf32, #tpu.memory_space<hbm>>
      %dma_start3A_143 = tpu.memref_squeeze %dma_start3A_142 : memref<1x64x128xf32, #tpu.memory_space<hbm>> -> memref<64x128xf32, #tpu.memory_space<hbm>>
      tpu.enqueue_dma source(%arg10 : memref<64x128xf32, #tpu.memory_space<vmem>>) target(%dma_start3A_143 : memref<64x128xf32, #tpu.memory_space<hbm>>) target_semaphore(%arg16 : memref<!tpu.dma_semaphore, #tpu.memory_space<semaphore_mem>>)
      %mul3A_144 = arith.constant 4 : i32
      %mul3A_145 = arith.muli %scan3A_82, %mul3A_144 : i32
      %add3A_146 = arith.constant 1 : i32
      %add3A_147 = arith.addi %mul3A_145, %add3A_146 : i32
      %add3A_148 = arith.constant 3 : i32
      %add3A_149 = arith.addi %add3A_147, %add3A_148 : i32
      %lt3A_150 = arith.constant 200 : i32
      %lt3A_151 = arith.cmpi slt, %add3A_149, %lt3A_150 : i32
      %convert_element_type3A_152 = arith.extui %lt3A_151 : i1 to i32
      %cond3A_153 = arith.constant 0 : i32
      %cond3A_154 = arith.cmpi ne, %convert_element_type3A_152, %cond3A_153 : i32
      scf.if %cond3A_154 {
        %mul3A_337 = arith.constant 128 : i32
        %mul3A_338 = arith.muli %add3A_149, %mul3A_337 : i32
        %dma_start3A_339 = tpu.memref_slice %arg5[%mul3A_338] : memref<25600xi32, #tpu.memory_space<vmem>> -> memref<128xi32, #tpu.memory_space<vmem>>
        %dma_start3A_340 = arith.constant 0 : i32
        %dma_start3A_341 = arith.constant 0 : i32
        %dma_start3A_342 = tpu.memref_slice %arg3[%dma_start3A_340, %dma_start3A_341] : memref<1000000x64xf32, #tpu.memory_space<hbm>> -> memref<1000000x64xf32, #tpu.memory_space<hbm>>
        tpu.enqueue_indirect_dma source(%dma_start3A_342 : memref<1000000x64xf32, #tpu.memory_space<hbm>>) target(%arg6 : memref<128x64xf32, #tpu.memory_space<vmem>>) offsets(%dma_start3A_339 : memref<128xi32, #tpu.memory_space<vmem>>) semaphore(%arg12 : memref<!tpu.dma_semaphore, #tpu.memory_space<semaphore_mem>>)
      } else {
      }
      %mul3A_155 = arith.constant 128 : i32
      %mul3A_156 = arith.muli %add3A_147, %mul3A_155 : i32
      %dma_wait3A_157 = tpu.memref_slice %arg5[%mul3A_156] : memref<25600xi32, #tpu.memory_space<vmem>> -> memref<128xi32, #tpu.memory_space<vmem>>
      %dma_wait3A_158 = arith.constant 0 : i32
      %dma_wait3A_159 = arith.constant 0 : i32
      %dma_wait3A_160 = tpu.memref_slice %arg3[%dma_wait3A_158, %dma_wait3A_159] : memref<1000000x64xf32, #tpu.memory_space<hbm>> -> memref<1000000x64xf32, #tpu.memory_space<hbm>>
      tpu.wait_indirect_dma semaphore(%arg13 : memref<!tpu.dma_semaphore, #tpu.memory_space<semaphore_mem>>) src(%dma_wait3A_160 : memref<1000000x64xf32, #tpu.memory_space<hbm>>) dst(%arg7 : memref<128x64xf32, #tpu.memory_space<vmem>>)
      %ge3A_161 = arith.constant 2 : i32
      %ge3A_162 = arith.cmpi sge, %add3A_147, %ge3A_161 : i32
      %convert_element_type3A_163 = arith.extui %ge3A_162 : i1 to i32
      %cond3A_164 = arith.constant 0 : i32
      %cond3A_165 = arith.cmpi ne, %convert_element_type3A_163, %cond3A_164 : i32
      scf.if %cond3A_165 {
        %sub3A_337 = arith.constant 2 : i32
        %sub3A_338 = arith.subi %add3A_147, %sub3A_337 : i32
        %mul3A_339 = arith.constant 128 : i32
        %mul3A_340 = arith.muli %sub3A_338, %mul3A_339 : i32
        %add3A_341 = arith.addi %mul3A_2, %mul3A_340 : i32
        %jit3A_342 = arith.constant 4096 : i32
        %div3A_343 = arith.divsi %add3A_341, %jit3A_342 : i32
        %sign3A_344 = arith.constant 0 : i32
        %sign3A_345 = arith.cmpi sgt, %add3A_341, %sign3A_344 : i32
        %sign3A_346 = arith.extui %sign3A_345 : i1 to i32
        %sign3A_347 = arith.constant 0 : i32
        %sign3A_348 = arith.cmpi slt, %add3A_341, %sign3A_347 : i32
        %sign3A_349 = arith.extui %sign3A_348 : i1 to i32
        %sign3A_350 = arith.subi %sign3A_346, %sign3A_349 : i32
        %sign3A_351 = arith.constant 0 : i32
        %sign3A_352 = arith.cmpi sgt, %jit3A_342, %sign3A_351 : i32
        %sign3A_353 = arith.extui %sign3A_352 : i1 to i32
        %sign3A_354 = arith.constant 0 : i32
        %sign3A_355 = arith.cmpi slt, %jit3A_342, %sign3A_354 : i32
        %sign3A_356 = arith.extui %sign3A_355 : i1 to i32
        %sign3A_357 = arith.subi %sign3A_353, %sign3A_356 : i32
        %ne3A_358 = arith.cmpi ne, %sign3A_350, %sign3A_357 : i32
        %rem3A_359 = arith.remsi %add3A_341, %jit3A_342 : i32
        %ne3A_360 = arith.constant 0 : i32
        %ne3A_361 = arith.cmpi ne, %rem3A_359, %ne3A_360 : i32
        %and3A_362 = arith.andi %ne3A_358, %ne3A_361 : i1
        %sub3A_363 = arith.constant 1 : i32
        %sub3A_364 = arith.subi %div3A_343, %sub3A_363 : i32
        %select_n3A_365 = arith.select %and3A_362, %sub3A_364, %div3A_343 : i32
        %rem3A_366 = arith.constant 4096 : i32
        %rem3A_367 = arith.remsi %add3A_341, %rem3A_366 : i32
        %dma_wait3A_368 = arith.constant 0 : i32
        %dma_wait3A_369 = tpu.memref_slice %arg4[%select_n3A_365, %dma_wait3A_368, %rem3A_367] : memref<200x64x4096xf32, #tpu.memory_space<hbm>> -> memref<1x64x128xf32, #tpu.memory_space<hbm>>
        %dma_wait3A_370 = tpu.memref_squeeze %dma_wait3A_369 : memref<1x64x128xf32, #tpu.memory_space<hbm>> -> memref<64x128xf32, #tpu.memory_space<hbm>>
        %dma_wait3A_371 = arith.constant 0 : i32
        %dma_wait3A_372 = tpu.memref_slice %arg4[%select_n3A_365, %dma_wait3A_371, %rem3A_367] : memref<200x64x4096xf32, #tpu.memory_space<hbm>> -> memref<1x64x128xf32, #tpu.memory_space<hbm>>
        %dma_wait3A_373 = tpu.memref_squeeze %dma_wait3A_372 : memref<1x64x128xf32, #tpu.memory_space<hbm>> -> memref<64x128xf32, #tpu.memory_space<hbm>>
        tpu.wait_dma2 semaphore(%arg17 : memref<!tpu.dma_semaphore, #tpu.memory_space<semaphore_mem>>) src(%arg11 : memref<64x128xf32, #tpu.memory_space<vmem>>) dst(%dma_wait3A_373 : memref<64x128xf32, #tpu.memory_space<hbm>>)
      } else {
      }
      %scan3A_166 = arith.constant 0 : i32
      %scan3A_167 = arith.constant 0 : i32
      %scan3A_168 = arith.constant 32 : i32
      %scan3A_169 = arith.addi %scan3A_167, %scan3A_168 : i32
      %scan3A_170 = arith.constant 1 : i32
      %scan3A_171 = scf.for %scan3A_337 = %scan3A_167 to %scan3A_169 step %scan3A_170 iter_args(%scan3A_338 = %scan3A_166) -> (i32)  : i32 {
        %mul3A_339 = arith.constant 2 : i32
        %mul3A_340 = arith.muli %scan3A_337, %mul3A_339 : i32
        %add3A_341 = arith.constant 0 : i32
        %add3A_342 = arith.addi %mul3A_340, %add3A_341 : i32
        %broadcast_in_dim3A = arith.constant 0 : i32
        %broadcast_in_dim3A_343 = vector.broadcast %broadcast_in_dim3A : i32 to vector<16xi32>
        %add3A_344 = vector.broadcast %add3A_342 : i32 to vector<16xi32>
        %add3A_345 = arith.addi %broadcast_in_dim3A_343, %add3A_344 : vector<16xi32>
        %iota3A = tpu.iota {dimensions = array<i32: 0>} : vector<16xi32>
        %add3A_346 = arith.constant 0 : i32
        %add3A_347 = vector.broadcast %add3A_346 : i32 to vector<16xi32>
        %add3A_348 = arith.addi %iota3A, %add3A_347 : vector<16xi32>
        %gather3A = tpu.vector_load_idx %arg7[%add3A_348, %add3A_345] : memref<128x64xf32, #tpu.memory_space<vmem>>[vector<16xi32>, vector<16xi32>], vector<16xf32>,
        %swap3A = arith.index_cast %add3A_342 : i32 to index
        %swap3A_349 = arith.constant 0 : index
        %swap3A_350 = tpu.vector_load %arg11[%swap3A, %swap3A_349] {strides = array<i32>} : memref<64x128xf32, #tpu.memory_space<vmem>>, vector<16xf32>,
        tpu.vector_store %arg11[%swap3A, %swap3A_349], %gather3A {strides = array<i32>} : memref<64x128xf32, #tpu.memory_space<vmem>>, vector<16xf32>,
        %iota3A_351 = tpu.iota {dimensions = array<i32: 0>} : vector<16xi32>
        %add3A_352 = arith.constant 16 : i32
        %add3A_353 = vector.broadcast %add3A_352 : i32 to vector<16xi32>
        %add3A_354 = arith.addi %iota3A_351, %add3A_353 : vector<16xi32>
        %gather3A_355 = tpu.vector_load_idx %arg7[%add3A_354, %add3A_345] : memref<128x64xf32, #tpu.memory_space<vmem>>[vector<16xi32>, vector<16xi32>], vector<16xf32>,
        %swap3A_356 = arith.index_cast %add3A_342 : i32 to index
        %swap3A_357 = arith.constant 16 : index
        %swap3A_358 = tpu.vector_load %arg11[%swap3A_356, %swap3A_357] {strides = array<i32>} : memref<64x128xf32, #tpu.memory_space<vmem>>, vector<16xf32>,
        tpu.vector_store %arg11[%swap3A_356, %swap3A_357], %gather3A_355 {strides = array<i32>} : memref<64x128xf32, #tpu.memory_space<vmem>>, vector<16xf32>,
        %iota3A_359 = tpu.iota {dimensions = array<i32: 0>} : vector<16xi32>
        %add3A_360 = arith.constant 32 : i32
        %add3A_361 = vector.broadcast %add3A_360 : i32 to vector<16xi32>
        %add3A_362 = arith.addi %iota3A_359, %add3A_361 : vector<16xi32>
        %gather3A_363 = tpu.vector_load_idx %arg7[%add3A_362, %add3A_345] : memref<128x64xf32, #tpu.memory_space<vmem>>[vector<16xi32>, vector<16xi32>], vector<16xf32>,
        %swap3A_364 = arith.index_cast %add3A_342 : i32 to index
        %swap3A_365 = arith.constant 32 : index
        %swap3A_366 = tpu.vector_load %arg11[%swap3A_364, %swap3A_365] {strides = array<i32>} : memref<64x128xf32, #tpu.memory_space<vmem>>, vector<16xf32>,
        tpu.vector_store %arg11[%swap3A_364, %swap3A_365], %gather3A_363 {strides = array<i32>} : memref<64x128xf32, #tpu.memory_space<vmem>>, vector<16xf32>,
        %iota3A_367 = tpu.iota {dimensions = array<i32: 0>} : vector<16xi32>
        %add3A_368 = arith.constant 48 : i32
        %add3A_369 = vector.broadcast %add3A_368 : i32 to vector<16xi32>
        %add3A_370 = arith.addi %iota3A_367, %add3A_369 : vector<16xi32>
        %gather3A_371 = tpu.vector_load_idx %arg7[%add3A_370, %add3A_345] : memref<128x64xf32, #tpu.memory_space<vmem>>[vector<16xi32>, vector<16xi32>], vector<16xf32>,
        %swap3A_372 = arith.index_cast %add3A_342 : i32 to index
        %swap3A_373 = arith.constant 48 : index
        %swap3A_374 = tpu.vector_load %arg11[%swap3A_372, %swap3A_373] {strides = array<i32>} : memref<64x128xf32, #tpu.memory_space<vmem>>, vector<16xf32>,
        tpu.vector_store %arg11[%swap3A_372, %swap3A_373], %gather3A_371 {strides = array<i32>} : memref<64x128xf32, #tpu.memory_space<vmem>>, vector<16xf32>,
        %iota3A_375 = tpu.iota {dimensions = array<i32: 0>} : vector<16xi32>
        %add3A_376 = arith.constant 64 : i32
        %add3A_377 = vector.broadcast %add3A_376 : i32 to vector<16xi32>
        %add3A_378 = arith.addi %iota3A_375, %add3A_377 : vector<16xi32>
        %gather3A_379 = tpu.vector_load_idx %arg7[%add3A_378, %add3A_345] : memref<128x64xf32, #tpu.memory_space<vmem>>[vector<16xi32>, vector<16xi32>], vector<16xf32>,
        %swap3A_380 = arith.index_cast %add3A_342 : i32 to index
        %swap3A_381 = arith.constant 64 : index
        %swap3A_382 = tpu.vector_load %arg11[%swap3A_380, %swap3A_381] {strides = array<i32>} : memref<64x128xf32, #tpu.memory_space<vmem>>, vector<16xf32>,
        tpu.vector_store %arg11[%swap3A_380, %swap3A_381], %gather3A_379 {strides = array<i32>} : memref<64x128xf32, #tpu.memory_space<vmem>>, vector<16xf32>,
        %iota3A_383 = tpu.iota {dimensions = array<i32: 0>} : vector<16xi32>
        %add3A_384 = arith.constant 80 : i32
        %add3A_385 = vector.broadcast %add3A_384 : i32 to vector<16xi32>
        %add3A_386 = arith.addi %iota3A_383, %add3A_385 : vector<16xi32>
        %gather3A_387 = tpu.vector_load_idx %arg7[%add3A_386, %add3A_345] : memref<128x64xf32, #tpu.memory_space<vmem>>[vector<16xi32>, vector<16xi32>], vector<16xf32>,
        %swap3A_388 = arith.index_cast %add3A_342 : i32 to index
        %swap3A_389 = arith.constant 80 : index
        %swap3A_390 = tpu.vector_load %arg11[%swap3A_388, %swap3A_389] {strides = array<i32>} : memref<64x128xf32, #tpu.memory_space<vmem>>, vector<16xf32>,
        tpu.vector_store %arg11[%swap3A_388, %swap3A_389], %gather3A_387 {strides = array<i32>} : memref<64x128xf32, #tpu.memory_space<vmem>>, vector<16xf32>,
        %iota3A_391 = tpu.iota {dimensions = array<i32: 0>} : vector<16xi32>
        %add3A_392 = arith.constant 96 : i32
        %add3A_393 = vector.broadcast %add3A_392 : i32 to vector<16xi32>
        %add3A_394 = arith.addi %iota3A_391, %add3A_393 : vector<16xi32>
        %gather3A_395 = tpu.vector_load_idx %arg7[%add3A_394, %add3A_345] : memref<128x64xf32, #tpu.memory_space<vmem>>[vector<16xi32>, vector<16xi32>], vector<16xf32>,
        %swap3A_396 = arith.index_cast %add3A_342 : i32 to index
        %swap3A_397 = arith.constant 96 : index
        %swap3A_398 = tpu.vector_load %arg11[%swap3A_396, %swap3A_397] {strides = array<i32>} : memref<64x128xf32, #tpu.memory_space<vmem>>, vector<16xf32>,
        tpu.vector_store %arg11[%swap3A_396, %swap3A_397], %gather3A_395 {strides = array<i32>} : memref<64x128xf32, #tpu.memory_space<vmem>>, vector<16xf32>,
        %iota3A_399 = tpu.iota {dimensions = array<i32: 0>} : vector<16xi32>
        %add3A_400 = arith.constant 112 : i32
        %add3A_401 = vector.broadcast %add3A_400 : i32 to vector<16xi32>
        %add3A_402 = arith.addi %iota3A_399, %add3A_401 : vector<16xi32>
        %gather3A_403 = tpu.vector_load_idx %arg7[%add3A_402, %add3A_345] : memref<128x64xf32, #tpu.memory_space<vmem>>[vector<16xi32>, vector<16xi32>], vector<16xf32>,
        %swap3A_404 = arith.index_cast %add3A_342 : i32 to index
        %swap3A_405 = arith.constant 112 : index
        %swap3A_406 = tpu.vector_load %arg11[%swap3A_404, %swap3A_405] {strides = array<i32>} : memref<64x128xf32, #tpu.memory_space<vmem>>, vector<16xf32>,
        tpu.vector_store %arg11[%swap3A_404, %swap3A_405], %gather3A_403 {strides = array<i32>} : memref<64x128xf32, #tpu.memory_space<vmem>>, vector<16xf32>,
        %mul3A_407 = arith.constant 2 : i32
        %mul3A_408 = arith.muli %scan3A_337, %mul3A_407 : i32
        %add3A_409 = arith.constant 1 : i32
        %add3A_410 = arith.addi %mul3A_408, %add3A_409 : i32
        %broadcast_in_dim3A_411 = arith.constant 0 : i32
        %broadcast_in_dim3A_412 = vector.broadcast %broadcast_in_dim3A_411 : i32 to vector<16xi32>
        %add3A_413 = vector.broadcast %add3A_410 : i32 to vector<16xi32>
        %add3A_414 = arith.addi %broadcast_in_dim3A_412, %add3A_413 : vector<16xi32>
        %iota3A_415 = tpu.iota {dimensions = array<i32: 0>} : vector<16xi32>
        %add3A_416 = arith.constant 0 : i32
        %add3A_417 = vector.broadcast %add3A_416 : i32 to vector<16xi32>
        %add3A_418 = arith.addi %iota3A_415, %add3A_417 : vector<16xi32>
        %gather3A_419 = tpu.vector_load_idx %arg7[%add3A_418, %add3A_414] : memref<128x64xf32, #tpu.memory_space<vmem>>[vector<16xi32>, vector<16xi32>], vector<16xf32>,
        %swap3A_420 = arith.index_cast %add3A_410 : i32 to index
        %swap3A_421 = arith.constant 0 : index
        %swap3A_422 = tpu.vector_load %arg11[%swap3A_420, %swap3A_421] {strides = array<i32>} : memref<64x128xf32, #tpu.memory_space<vmem>>, vector<16xf32>,
        tpu.vector_store %arg11[%swap3A_420, %swap3A_421], %gather3A_419 {strides = array<i32>} : memref<64x128xf32, #tpu.memory_space<vmem>>, vector<16xf32>,
        %iota3A_423 = tpu.iota {dimensions = array<i32: 0>} : vector<16xi32>
        %add3A_424 = arith.constant 16 : i32
        %add3A_425 = vector.broadcast %add3A_424 : i32 to vector<16xi32>
        %add3A_426 = arith.addi %iota3A_423, %add3A_425 : vector<16xi32>
        %gather3A_427 = tpu.vector_load_idx %arg7[%add3A_426, %add3A_414] : memref<128x64xf32, #tpu.memory_space<vmem>>[vector<16xi32>, vector<16xi32>], vector<16xf32>,
        %swap3A_428 = arith.index_cast %add3A_410 : i32 to index
        %swap3A_429 = arith.constant 16 : index
        %swap3A_430 = tpu.vector_load %arg11[%swap3A_428, %swap3A_429] {strides = array<i32>} : memref<64x128xf32, #tpu.memory_space<vmem>>, vector<16xf32>,
        tpu.vector_store %arg11[%swap3A_428, %swap3A_429], %gather3A_427 {strides = array<i32>} : memref<64x128xf32, #tpu.memory_space<vmem>>, vector<16xf32>,
        %iota3A_431 = tpu.iota {dimensions = array<i32: 0>} : vector<16xi32>
        %add3A_432 = arith.constant 32 : i32
        %add3A_433 = vector.broadcast %add3A_432 : i32 to vector<16xi32>
        %add3A_434 = arith.addi %iota3A_431, %add3A_433 : vector<16xi32>
        %gather3A_435 = tpu.vector_load_idx %arg7[%add3A_434, %add3A_414] : memref<128x64xf32, #tpu.memory_space<vmem>>[vector<16xi32>, vector<16xi32>], vector<16xf32>,
        %swap3A_436 = arith.index_cast %add3A_410 : i32 to index
        %swap3A_437 = arith.constant 32 : index
        %swap3A_438 = tpu.vector_load %arg11[%swap3A_436, %swap3A_437] {strides = array<i32>} : memref<64x128xf32, #tpu.memory_space<vmem>>, vector<16xf32>,
        tpu.vector_store %arg11[%swap3A_436, %swap3A_437], %gather3A_435 {strides = array<i32>} : memref<64x128xf32, #tpu.memory_space<vmem>>, vector<16xf32>,
        %iota3A_439 = tpu.iota {dimensions = array<i32: 0>} : vector<16xi32>
        %add3A_440 = arith.constant 48 : i32
        %add3A_441 = vector.broadcast %add3A_440 : i32 to vector<16xi32>
        %add3A_442 = arith.addi %iota3A_439, %add3A_441 : vector<16xi32>
        %gather3A_443 = tpu.vector_load_idx %arg7[%add3A_442, %add3A_414] : memref<128x64xf32, #tpu.memory_space<vmem>>[vector<16xi32>, vector<16xi32>], vector<16xf32>,
        %swap3A_444 = arith.index_cast %add3A_410 : i32 to index
        %swap3A_445 = arith.constant 48 : index
        %swap3A_446 = tpu.vector_load %arg11[%swap3A_444, %swap3A_445] {strides = array<i32>} : memref<64x128xf32, #tpu.memory_space<vmem>>, vector<16xf32>,
        tpu.vector_store %arg11[%swap3A_444, %swap3A_445], %gather3A_443 {strides = array<i32>} : memref<64x128xf32, #tpu.memory_space<vmem>>, vector<16xf32>,
        %iota3A_447 = tpu.iota {dimensions = array<i32: 0>} : vector<16xi32>
        %add3A_448 = arith.constant 64 : i32
        %add3A_449 = vector.broadcast %add3A_448 : i32 to vector<16xi32>
        %add3A_450 = arith.addi %iota3A_447, %add3A_449 : vector<16xi32>
        %gather3A_451 = tpu.vector_load_idx %arg7[%add3A_450, %add3A_414] : memref<128x64xf32, #tpu.memory_space<vmem>>[vector<16xi32>, vector<16xi32>], vector<16xf32>,
        %swap3A_452 = arith.index_cast %add3A_410 : i32 to index
        %swap3A_453 = arith.constant 64 : index
        %swap3A_454 = tpu.vector_load %arg11[%swap3A_452, %swap3A_453] {strides = array<i32>} : memref<64x128xf32, #tpu.memory_space<vmem>>, vector<16xf32>,
        tpu.vector_store %arg11[%swap3A_452, %swap3A_453], %gather3A_451 {strides = array<i32>} : memref<64x128xf32, #tpu.memory_space<vmem>>, vector<16xf32>,
        %iota3A_455 = tpu.iota {dimensions = array<i32: 0>} : vector<16xi32>
        %add3A_456 = arith.constant 80 : i32
        %add3A_457 = vector.broadcast %add3A_456 : i32 to vector<16xi32>
        %add3A_458 = arith.addi %iota3A_455, %add3A_457 : vector<16xi32>
        %gather3A_459 = tpu.vector_load_idx %arg7[%add3A_458, %add3A_414] : memref<128x64xf32, #tpu.memory_space<vmem>>[vector<16xi32>, vector<16xi32>], vector<16xf32>,
        %swap3A_460 = arith.index_cast %add3A_410 : i32 to index
        %swap3A_461 = arith.constant 80 : index
        %swap3A_462 = tpu.vector_load %arg11[%swap3A_460, %swap3A_461] {strides = array<i32>} : memref<64x128xf32, #tpu.memory_space<vmem>>, vector<16xf32>,
        tpu.vector_store %arg11[%swap3A_460, %swap3A_461], %gather3A_459 {strides = array<i32>} : memref<64x128xf32, #tpu.memory_space<vmem>>, vector<16xf32>,
        %iota3A_463 = tpu.iota {dimensions = array<i32: 0>} : vector<16xi32>
        %add3A_464 = arith.constant 96 : i32
        %add3A_465 = vector.broadcast %add3A_464 : i32 to vector<16xi32>
        %add3A_466 = arith.addi %iota3A_463, %add3A_465 : vector<16xi32>
        %gather3A_467 = tpu.vector_load_idx %arg7[%add3A_466, %add3A_414] : memref<128x64xf32, #tpu.memory_space<vmem>>[vector<16xi32>, vector<16xi32>], vector<16xf32>,
        %swap3A_468 = arith.index_cast %add3A_410 : i32 to index
        %swap3A_469 = arith.constant 96 : index
        %swap3A_470 = tpu.vector_load %arg11[%swap3A_468, %swap3A_469] {strides = array<i32>} : memref<64x128xf32, #tpu.memory_space<vmem>>, vector<16xf32>,
        tpu.vector_store %arg11[%swap3A_468, %swap3A_469], %gather3A_467 {strides = array<i32>} : memref<64x128xf32, #tpu.memory_space<vmem>>, vector<16xf32>,
        %iota3A_471 = tpu.iota {dimensions = array<i32: 0>} : vector<16xi32>
        %add3A_472 = arith.constant 112 : i32
        %add3A_473 = vector.broadcast %add3A_472 : i32 to vector<16xi32>
        %add3A_474 = arith.addi %iota3A_471, %add3A_473 : vector<16xi32>
        %gather3A_475 = tpu.vector_load_idx %arg7[%add3A_474, %add3A_414] : memref<128x64xf32, #tpu.memory_space<vmem>>[vector<16xi32>, vector<16xi32>], vector<16xf32>,
        %swap3A_476 = arith.index_cast %add3A_410 : i32 to index
        %swap3A_477 = arith.constant 112 : index
        %swap3A_478 = tpu.vector_load %arg11[%swap3A_476, %swap3A_477] {strides = array<i32>} : memref<64x128xf32, #tpu.memory_space<vmem>>, vector<16xf32>,
        tpu.vector_store %arg11[%swap3A_476, %swap3A_477], %gather3A_475 {strides = array<i32>} : memref<64x128xf32, #tpu.memory_space<vmem>>, vector<16xf32>,
        %scan3A_479 = arith.constant 0 : i32
        scf.yield %scan3A_479 : i32
      }
      %scan3A_172 = arith.constant 32 : i32
      %mul3A_173 = arith.constant 128 : i32
      %mul3A_174 = arith.muli %add3A_147, %mul3A_173 : i32
      %add3A_175 = arith.addi %mul3A_2, %mul3A_174 : i32
      %jit3A_176 = arith.constant 4096 : i32
      %div3A_177 = arith.divsi %add3A_175, %jit3A_176 : i32
      %sign3A_178 = arith.constant 0 : i32
      %sign3A_179 = arith.cmpi sgt, %add3A_175, %sign3A_178 : i32
      %sign3A_180 = arith.extui %sign3A_179 : i1 to i32
      %sign3A_181 = arith.constant 0 : i32
      %sign3A_182 = arith.cmpi slt, %add3A_175, %sign3A_181 : i32
      %sign3A_183 = arith.extui %sign3A_182 : i1 to i32
      %sign3A_184 = arith.subi %sign3A_180, %sign3A_183 : i32
      %sign3A_185 = arith.constant 0 : i32
      %sign3A_186 = arith.cmpi sgt, %jit3A_176, %sign3A_185 : i32
      %sign3A_187 = arith.extui %sign3A_186 : i1 to i32
      %sign3A_188 = arith.constant 0 : i32
      %sign3A_189 = arith.cmpi slt, %jit3A_176, %sign3A_188 : i32
      %sign3A_190 = arith.extui %sign3A_189 : i1 to i32
      %sign3A_191 = arith.subi %sign3A_187, %sign3A_190 : i32
      %ne3A_192 = arith.cmpi ne, %sign3A_184, %sign3A_191 : i32
      %rem3A_193 = arith.remsi %add3A_175, %jit3A_176 : i32
      %ne3A_194 = arith.constant 0 : i32
      %ne3A_195 = arith.cmpi ne, %rem3A_193, %ne3A_194 : i32
      %and3A_196 = arith.andi %ne3A_192, %ne3A_195 : i1
      %sub3A_197 = arith.constant 1 : i32
      %sub3A_198 = arith.subi %div3A_177, %sub3A_197 : i32
      %select_n3A_199 = arith.select %and3A_196, %sub3A_198, %div3A_177 : i32
      %rem3A_200 = arith.constant 4096 : i32
      %rem3A_201 = arith.remsi %add3A_175, %rem3A_200 : i32
      %dma_start3A_202 = arith.constant 0 : i32
      %dma_start3A_203 = tpu.memref_slice %arg4[%select_n3A_199, %dma_start3A_202, %rem3A_201] : memref<200x64x4096xf32, #tpu.memory_space<hbm>> -> memref<1x64x128xf32, #tpu.memory_space<hbm>>
      %dma_start3A_204 = tpu.memref_squeeze %dma_start3A_203 : memref<1x64x128xf32, #tpu.memory_space<hbm>> -> memref<64x128xf32, #tpu.memory_space<hbm>>
      %dma_start3A_205 = arith.constant 0 : i32
      %dma_start3A_206 = tpu.memref_slice %arg4[%select_n3A_199, %dma_start3A_205, %rem3A_201] : memref<200x64x4096xf32, #tpu.memory_space<hbm>> -> memref<1x64x128xf32, #tpu.memory_space<hbm>>
      %dma_start3A_207 = tpu.memref_squeeze %dma_start3A_206 : memref<1x64x128xf32, #tpu.memory_space<hbm>> -> memref<64x128xf32, #tpu.memory_space<hbm>>
      tpu.enqueue_dma source(%arg11 : memref<64x128xf32, #tpu.memory_space<vmem>>) target(%dma_start3A_207 : memref<64x128xf32, #tpu.memory_space<hbm>>) target_semaphore(%arg17 : memref<!tpu.dma_semaphore, #tpu.memory_space<semaphore_mem>>)
      %mul3A_208 = arith.constant 4 : i32
      %mul3A_209 = arith.muli %scan3A_82, %mul3A_208 : i32
      %add3A_210 = arith.constant 2 : i32
      %add3A_211 = arith.addi %mul3A_209, %add3A_210 : i32
      %add3A_212 = arith.constant 3 : i32
      %add3A_213 = arith.addi %add3A_211, %add3A_212 : i32
      %lt3A_214 = arith.constant 200 : i32
      %lt3A_215 = arith.cmpi slt, %add3A_213, %lt3A_214 : i32
      %convert_element_type3A_216 = arith.extui %lt3A_215 : i1 to i32
      %cond3A_217 = arith.constant 0 : i32
      %cond3A_218 = arith.cmpi ne, %convert_element_type3A_216, %cond3A_217 : i32
      scf.if %cond3A_218 {
        %mul3A_337 = arith.constant 128 : i32
        %mul3A_338 = arith.muli %add3A_213, %mul3A_337 : i32
        %dma_start3A_339 = tpu.memref_slice %arg5[%mul3A_338] : memref<25600xi32, #tpu.memory_space<vmem>> -> memref<128xi32, #tpu.memory_space<vmem>>
        %dma_start3A_340 = arith.constant 0 : i32
        %dma_start3A_341 = arith.constant 0 : i32
        %dma_start3A_342 = tpu.memref_slice %arg3[%dma_start3A_340, %dma_start3A_341] : memref<1000000x64xf32, #tpu.memory_space<hbm>> -> memref<1000000x64xf32, #tpu.memory_space<hbm>>
        tpu.enqueue_indirect_dma source(%dma_start3A_342 : memref<1000000x64xf32, #tpu.memory_space<hbm>>) target(%arg7 : memref<128x64xf32, #tpu.memory_space<vmem>>) offsets(%dma_start3A_339 : memref<128xi32, #tpu.memory_space<vmem>>) semaphore(%arg13 : memref<!tpu.dma_semaphore, #tpu.memory_space<semaphore_mem>>)
      } else {
      }
      %mul3A_219 = arith.constant 128 : i32
      %mul3A_220 = arith.muli %add3A_211, %mul3A_219 : i32
      %dma_wait3A_221 = tpu.memref_slice %arg5[%mul3A_220] : memref<25600xi32, #tpu.memory_space<vmem>> -> memref<128xi32, #tpu.memory_space<vmem>>
      %dma_wait3A_222 = arith.constant 0 : i32
      %dma_wait3A_223 = arith.constant 0 : i32
      %dma_wait3A_224 = tpu.memref_slice %arg3[%dma_wait3A_222, %dma_wait3A_223] : memref<1000000x64xf32, #tpu.memory_space<hbm>> -> memref<1000000x64xf32, #tpu.memory_space<hbm>>
      tpu.wait_indirect_dma semaphore(%arg14 : memref<!tpu.dma_semaphore, #tpu.memory_space<semaphore_mem>>) src(%dma_wait3A_224 : memref<1000000x64xf32, #tpu.memory_space<hbm>>) dst(%arg8 : memref<128x64xf32, #tpu.memory_space<vmem>>)
      %ge3A_225 = arith.constant 2 : i32
      %ge3A_226 = arith.cmpi sge, %add3A_211, %ge3A_225 : i32
      %convert_element_type3A_227 = arith.extui %ge3A_226 : i1 to i32
      %cond3A_228 = arith.constant 0 : i32
      %cond3A_229 = arith.cmpi ne, %convert_element_type3A_227, %cond3A_228 : i32
      scf.if %cond3A_229 {
        %sub3A_337 = arith.constant 2 : i32
        %sub3A_338 = arith.subi %add3A_211, %sub3A_337 : i32
        %mul3A_339 = arith.constant 128 : i32
        %mul3A_340 = arith.muli %sub3A_338, %mul3A_339 : i32
        %add3A_341 = arith.addi %mul3A_2, %mul3A_340 : i32
        %jit3A_342 = arith.constant 4096 : i32
        %div3A_343 = arith.divsi %add3A_341, %jit3A_342 : i32
        %sign3A_344 = arith.constant 0 : i32
        %sign3A_345 = arith.cmpi sgt, %add3A_341, %sign3A_344 : i32
        %sign3A_346 = arith.extui %sign3A_345 : i1 to i32
        %sign3A_347 = arith.constant 0 : i32
        %sign3A_348 = arith.cmpi slt, %add3A_341, %sign3A_347 : i32
        %sign3A_349 = arith.extui %sign3A_348 : i1 to i32
        %sign3A_350 = arith.subi %sign3A_346, %sign3A_349 : i32
        %sign3A_351 = arith.constant 0 : i32
        %sign3A_352 = arith.cmpi sgt, %jit3A_342, %sign3A_351 : i32
        %sign3A_353 = arith.extui %sign3A_352 : i1 to i32
        %sign3A_354 = arith.constant 0 : i32
        %sign3A_355 = arith.cmpi slt, %jit3A_342, %sign3A_354 : i32
        %sign3A_356 = arith.extui %sign3A_355 : i1 to i32
        %sign3A_357 = arith.subi %sign3A_353, %sign3A_356 : i32
        %ne3A_358 = arith.cmpi ne, %sign3A_350, %sign3A_357 : i32
        %rem3A_359 = arith.remsi %add3A_341, %jit3A_342 : i32
        %ne3A_360 = arith.constant 0 : i32
        %ne3A_361 = arith.cmpi ne, %rem3A_359, %ne3A_360 : i32
        %and3A_362 = arith.andi %ne3A_358, %ne3A_361 : i1
        %sub3A_363 = arith.constant 1 : i32
        %sub3A_364 = arith.subi %div3A_343, %sub3A_363 : i32
        %select_n3A_365 = arith.select %and3A_362, %sub3A_364, %div3A_343 : i32
        %rem3A_366 = arith.constant 4096 : i32
        %rem3A_367 = arith.remsi %add3A_341, %rem3A_366 : i32
        %dma_wait3A_368 = arith.constant 0 : i32
        %dma_wait3A_369 = tpu.memref_slice %arg4[%select_n3A_365, %dma_wait3A_368, %rem3A_367] : memref<200x64x4096xf32, #tpu.memory_space<hbm>> -> memref<1x64x128xf32, #tpu.memory_space<hbm>>
        %dma_wait3A_370 = tpu.memref_squeeze %dma_wait3A_369 : memref<1x64x128xf32, #tpu.memory_space<hbm>> -> memref<64x128xf32, #tpu.memory_space<hbm>>
        %dma_wait3A_371 = arith.constant 0 : i32
        %dma_wait3A_372 = tpu.memref_slice %arg4[%select_n3A_365, %dma_wait3A_371, %rem3A_367] : memref<200x64x4096xf32, #tpu.memory_space<hbm>> -> memref<1x64x128xf32, #tpu.memory_space<hbm>>
        %dma_wait3A_373 = tpu.memref_squeeze %dma_wait3A_372 : memref<1x64x128xf32, #tpu.memory_space<hbm>> -> memref<64x128xf32, #tpu.memory_space<hbm>>
        tpu.wait_dma2 semaphore(%arg16 : memref<!tpu.dma_semaphore, #tpu.memory_space<semaphore_mem>>) src(%arg10 : memref<64x128xf32, #tpu.memory_space<vmem>>) dst(%dma_wait3A_373 : memref<64x128xf32, #tpu.memory_space<hbm>>)
      } else {
      }
      %scan3A_230 = arith.constant 0 : i32
      %scan3A_231 = arith.constant 0 : i32
      %scan3A_232 = arith.constant 32 : i32
      %scan3A_233 = arith.addi %scan3A_231, %scan3A_232 : i32
      %scan3A_234 = arith.constant 1 : i32
      %scan3A_235 = scf.for %scan3A_337 = %scan3A_231 to %scan3A_233 step %scan3A_234 iter_args(%scan3A_338 = %scan3A_230) -> (i32)  : i32 {
        %mul3A_339 = arith.constant 2 : i32
        %mul3A_340 = arith.muli %scan3A_337, %mul3A_339 : i32
        %add3A_341 = arith.constant 0 : i32
        %add3A_342 = arith.addi %mul3A_340, %add3A_341 : i32
        %broadcast_in_dim3A = arith.constant 0 : i32
        %broadcast_in_dim3A_343 = vector.broadcast %broadcast_in_dim3A : i32 to vector<16xi32>
        %add3A_344 = vector.broadcast %add3A_342 : i32 to vector<16xi32>
        %add3A_345 = arith.addi %broadcast_in_dim3A_343, %add3A_344 : vector<16xi32>
        %iota3A = tpu.iota {dimensions = array<i32: 0>} : vector<16xi32>
        %add3A_346 = arith.constant 0 : i32
        %add3A_347 = vector.broadcast %add3A_346 : i32 to vector<16xi32>
        %add3A_348 = arith.addi %iota3A, %add3A_347 : vector<16xi32>
        %gather3A = tpu.vector_load_idx %arg8[%add3A_348, %add3A_345] : memref<128x64xf32, #tpu.memory_space<vmem>>[vector<16xi32>, vector<16xi32>], vector<16xf32>,
        %swap3A = arith.index_cast %add3A_342 : i32 to index
        %swap3A_349 = arith.constant 0 : index
        %swap3A_350 = tpu.vector_load %arg10[%swap3A, %swap3A_349] {strides = array<i32>} : memref<64x128xf32, #tpu.memory_space<vmem>>, vector<16xf32>,
        tpu.vector_store %arg10[%swap3A, %swap3A_349], %gather3A {strides = array<i32>} : memref<64x128xf32, #tpu.memory_space<vmem>>, vector<16xf32>,
        %iota3A_351 = tpu.iota {dimensions = array<i32: 0>} : vector<16xi32>
        %add3A_352 = arith.constant 16 : i32
        %add3A_353 = vector.broadcast %add3A_352 : i32 to vector<16xi32>
        %add3A_354 = arith.addi %iota3A_351, %add3A_353 : vector<16xi32>
        %gather3A_355 = tpu.vector_load_idx %arg8[%add3A_354, %add3A_345] : memref<128x64xf32, #tpu.memory_space<vmem>>[vector<16xi32>, vector<16xi32>], vector<16xf32>,
        %swap3A_356 = arith.index_cast %add3A_342 : i32 to index
        %swap3A_357 = arith.constant 16 : index
        %swap3A_358 = tpu.vector_load %arg10[%swap3A_356, %swap3A_357] {strides = array<i32>} : memref<64x128xf32, #tpu.memory_space<vmem>>, vector<16xf32>,
        tpu.vector_store %arg10[%swap3A_356, %swap3A_357], %gather3A_355 {strides = array<i32>} : memref<64x128xf32, #tpu.memory_space<vmem>>, vector<16xf32>,
        %iota3A_359 = tpu.iota {dimensions = array<i32: 0>} : vector<16xi32>
        %add3A_360 = arith.constant 32 : i32
        %add3A_361 = vector.broadcast %add3A_360 : i32 to vector<16xi32>
        %add3A_362 = arith.addi %iota3A_359, %add3A_361 : vector<16xi32>
        %gather3A_363 = tpu.vector_load_idx %arg8[%add3A_362, %add3A_345] : memref<128x64xf32, #tpu.memory_space<vmem>>[vector<16xi32>, vector<16xi32>], vector<16xf32>,
        %swap3A_364 = arith.index_cast %add3A_342 : i32 to index
        %swap3A_365 = arith.constant 32 : index
        %swap3A_366 = tpu.vector_load %arg10[%swap3A_364, %swap3A_365] {strides = array<i32>} : memref<64x128xf32, #tpu.memory_space<vmem>>, vector<16xf32>,
        tpu.vector_store %arg10[%swap3A_364, %swap3A_365], %gather3A_363 {strides = array<i32>} : memref<64x128xf32, #tpu.memory_space<vmem>>, vector<16xf32>,
        %iota3A_367 = tpu.iota {dimensions = array<i32: 0>} : vector<16xi32>
        %add3A_368 = arith.constant 48 : i32
        %add3A_369 = vector.broadcast %add3A_368 : i32 to vector<16xi32>
        %add3A_370 = arith.addi %iota3A_367, %add3A_369 : vector<16xi32>
        %gather3A_371 = tpu.vector_load_idx %arg8[%add3A_370, %add3A_345] : memref<128x64xf32, #tpu.memory_space<vmem>>[vector<16xi32>, vector<16xi32>], vector<16xf32>,
        %swap3A_372 = arith.index_cast %add3A_342 : i32 to index
        %swap3A_373 = arith.constant 48 : index
        %swap3A_374 = tpu.vector_load %arg10[%swap3A_372, %swap3A_373] {strides = array<i32>} : memref<64x128xf32, #tpu.memory_space<vmem>>, vector<16xf32>,
        tpu.vector_store %arg10[%swap3A_372, %swap3A_373], %gather3A_371 {strides = array<i32>} : memref<64x128xf32, #tpu.memory_space<vmem>>, vector<16xf32>,
        %iota3A_375 = tpu.iota {dimensions = array<i32: 0>} : vector<16xi32>
        %add3A_376 = arith.constant 64 : i32
        %add3A_377 = vector.broadcast %add3A_376 : i32 to vector<16xi32>
        %add3A_378 = arith.addi %iota3A_375, %add3A_377 : vector<16xi32>
        %gather3A_379 = tpu.vector_load_idx %arg8[%add3A_378, %add3A_345] : memref<128x64xf32, #tpu.memory_space<vmem>>[vector<16xi32>, vector<16xi32>], vector<16xf32>,
        %swap3A_380 = arith.index_cast %add3A_342 : i32 to index
        %swap3A_381 = arith.constant 64 : index
        %swap3A_382 = tpu.vector_load %arg10[%swap3A_380, %swap3A_381] {strides = array<i32>} : memref<64x128xf32, #tpu.memory_space<vmem>>, vector<16xf32>,
        tpu.vector_store %arg10[%swap3A_380, %swap3A_381], %gather3A_379 {strides = array<i32>} : memref<64x128xf32, #tpu.memory_space<vmem>>, vector<16xf32>,
        %iota3A_383 = tpu.iota {dimensions = array<i32: 0>} : vector<16xi32>
        %add3A_384 = arith.constant 80 : i32
        %add3A_385 = vector.broadcast %add3A_384 : i32 to vector<16xi32>
        %add3A_386 = arith.addi %iota3A_383, %add3A_385 : vector<16xi32>
        %gather3A_387 = tpu.vector_load_idx %arg8[%add3A_386, %add3A_345] : memref<128x64xf32, #tpu.memory_space<vmem>>[vector<16xi32>, vector<16xi32>], vector<16xf32>,
        %swap3A_388 = arith.index_cast %add3A_342 : i32 to index
        %swap3A_389 = arith.constant 80 : index
        %swap3A_390 = tpu.vector_load %arg10[%swap3A_388, %swap3A_389] {strides = array<i32>} : memref<64x128xf32, #tpu.memory_space<vmem>>, vector<16xf32>,
        tpu.vector_store %arg10[%swap3A_388, %swap3A_389], %gather3A_387 {strides = array<i32>} : memref<64x128xf32, #tpu.memory_space<vmem>>, vector<16xf32>,
        %iota3A_391 = tpu.iota {dimensions = array<i32: 0>} : vector<16xi32>
        %add3A_392 = arith.constant 96 : i32
        %add3A_393 = vector.broadcast %add3A_392 : i32 to vector<16xi32>
        %add3A_394 = arith.addi %iota3A_391, %add3A_393 : vector<16xi32>
        %gather3A_395 = tpu.vector_load_idx %arg8[%add3A_394, %add3A_345] : memref<128x64xf32, #tpu.memory_space<vmem>>[vector<16xi32>, vector<16xi32>], vector<16xf32>,
        %swap3A_396 = arith.index_cast %add3A_342 : i32 to index
        %swap3A_397 = arith.constant 96 : index
        %swap3A_398 = tpu.vector_load %arg10[%swap3A_396, %swap3A_397] {strides = array<i32>} : memref<64x128xf32, #tpu.memory_space<vmem>>, vector<16xf32>,
        tpu.vector_store %arg10[%swap3A_396, %swap3A_397], %gather3A_395 {strides = array<i32>} : memref<64x128xf32, #tpu.memory_space<vmem>>, vector<16xf32>,
        %iota3A_399 = tpu.iota {dimensions = array<i32: 0>} : vector<16xi32>
        %add3A_400 = arith.constant 112 : i32
        %add3A_401 = vector.broadcast %add3A_400 : i32 to vector<16xi32>
        %add3A_402 = arith.addi %iota3A_399, %add3A_401 : vector<16xi32>
        %gather3A_403 = tpu.vector_load_idx %arg8[%add3A_402, %add3A_345] : memref<128x64xf32, #tpu.memory_space<vmem>>[vector<16xi32>, vector<16xi32>], vector<16xf32>,
        %swap3A_404 = arith.index_cast %add3A_342 : i32 to index
        %swap3A_405 = arith.constant 112 : index
        %swap3A_406 = tpu.vector_load %arg10[%swap3A_404, %swap3A_405] {strides = array<i32>} : memref<64x128xf32, #tpu.memory_space<vmem>>, vector<16xf32>,
        tpu.vector_store %arg10[%swap3A_404, %swap3A_405], %gather3A_403 {strides = array<i32>} : memref<64x128xf32, #tpu.memory_space<vmem>>, vector<16xf32>,
        %mul3A_407 = arith.constant 2 : i32
        %mul3A_408 = arith.muli %scan3A_337, %mul3A_407 : i32
        %add3A_409 = arith.constant 1 : i32
        %add3A_410 = arith.addi %mul3A_408, %add3A_409 : i32
        %broadcast_in_dim3A_411 = arith.constant 0 : i32
        %broadcast_in_dim3A_412 = vector.broadcast %broadcast_in_dim3A_411 : i32 to vector<16xi32>
        %add3A_413 = vector.broadcast %add3A_410 : i32 to vector<16xi32>
        %add3A_414 = arith.addi %broadcast_in_dim3A_412, %add3A_413 : vector<16xi32>
        %iota3A_415 = tpu.iota {dimensions = array<i32: 0>} : vector<16xi32>
        %add3A_416 = arith.constant 0 : i32
        %add3A_417 = vector.broadcast %add3A_416 : i32 to vector<16xi32>
        %add3A_418 = arith.addi %iota3A_415, %add3A_417 : vector<16xi32>
        %gather3A_419 = tpu.vector_load_idx %arg8[%add3A_418, %add3A_414] : memref<128x64xf32, #tpu.memory_space<vmem>>[vector<16xi32>, vector<16xi32>], vector<16xf32>,
        %swap3A_420 = arith.index_cast %add3A_410 : i32 to index
        %swap3A_421 = arith.constant 0 : index
        %swap3A_422 = tpu.vector_load %arg10[%swap3A_420, %swap3A_421] {strides = array<i32>} : memref<64x128xf32, #tpu.memory_space<vmem>>, vector<16xf32>,
        tpu.vector_store %arg10[%swap3A_420, %swap3A_421], %gather3A_419 {strides = array<i32>} : memref<64x128xf32, #tpu.memory_space<vmem>>, vector<16xf32>,
        %iota3A_423 = tpu.iota {dimensions = array<i32: 0>} : vector<16xi32>
        %add3A_424 = arith.constant 16 : i32
        %add3A_425 = vector.broadcast %add3A_424 : i32 to vector<16xi32>
        %add3A_426 = arith.addi %iota3A_423, %add3A_425 : vector<16xi32>
        %gather3A_427 = tpu.vector_load_idx %arg8[%add3A_426, %add3A_414] : memref<128x64xf32, #tpu.memory_space<vmem>>[vector<16xi32>, vector<16xi32>], vector<16xf32>,
        %swap3A_428 = arith.index_cast %add3A_410 : i32 to index
        %swap3A_429 = arith.constant 16 : index
        %swap3A_430 = tpu.vector_load %arg10[%swap3A_428, %swap3A_429] {strides = array<i32>} : memref<64x128xf32, #tpu.memory_space<vmem>>, vector<16xf32>,
        tpu.vector_store %arg10[%swap3A_428, %swap3A_429], %gather3A_427 {strides = array<i32>} : memref<64x128xf32, #tpu.memory_space<vmem>>, vector<16xf32>,
        %iota3A_431 = tpu.iota {dimensions = array<i32: 0>} : vector<16xi32>
        %add3A_432 = arith.constant 32 : i32
        %add3A_433 = vector.broadcast %add3A_432 : i32 to vector<16xi32>
        %add3A_434 = arith.addi %iota3A_431, %add3A_433 : vector<16xi32>
        %gather3A_435 = tpu.vector_load_idx %arg8[%add3A_434, %add3A_414] : memref<128x64xf32, #tpu.memory_space<vmem>>[vector<16xi32>, vector<16xi32>], vector<16xf32>,
        %swap3A_436 = arith.index_cast %add3A_410 : i32 to index
        %swap3A_437 = arith.constant 32 : index
        %swap3A_438 = tpu.vector_load %arg10[%swap3A_436, %swap3A_437] {strides = array<i32>} : memref<64x128xf32, #tpu.memory_space<vmem>>, vector<16xf32>,
        tpu.vector_store %arg10[%swap3A_436, %swap3A_437], %gather3A_435 {strides = array<i32>} : memref<64x128xf32, #tpu.memory_space<vmem>>, vector<16xf32>,
        %iota3A_439 = tpu.iota {dimensions = array<i32: 0>} : vector<16xi32>
        %add3A_440 = arith.constant 48 : i32
        %add3A_441 = vector.broadcast %add3A_440 : i32 to vector<16xi32>
        %add3A_442 = arith.addi %iota3A_439, %add3A_441 : vector<16xi32>
        %gather3A_443 = tpu.vector_load_idx %arg8[%add3A_442, %add3A_414] : memref<128x64xf32, #tpu.memory_space<vmem>>[vector<16xi32>, vector<16xi32>], vector<16xf32>,
        %swap3A_444 = arith.index_cast %add3A_410 : i32 to index
        %swap3A_445 = arith.constant 48 : index
        %swap3A_446 = tpu.vector_load %arg10[%swap3A_444, %swap3A_445] {strides = array<i32>} : memref<64x128xf32, #tpu.memory_space<vmem>>, vector<16xf32>,
        tpu.vector_store %arg10[%swap3A_444, %swap3A_445], %gather3A_443 {strides = array<i32>} : memref<64x128xf32, #tpu.memory_space<vmem>>, vector<16xf32>,
        %iota3A_447 = tpu.iota {dimensions = array<i32: 0>} : vector<16xi32>
        %add3A_448 = arith.constant 64 : i32
        %add3A_449 = vector.broadcast %add3A_448 : i32 to vector<16xi32>
        %add3A_450 = arith.addi %iota3A_447, %add3A_449 : vector<16xi32>
        %gather3A_451 = tpu.vector_load_idx %arg8[%add3A_450, %add3A_414] : memref<128x64xf32, #tpu.memory_space<vmem>>[vector<16xi32>, vector<16xi32>], vector<16xf32>,
        %swap3A_452 = arith.index_cast %add3A_410 : i32 to index
        %swap3A_453 = arith.constant 64 : index
        %swap3A_454 = tpu.vector_load %arg10[%swap3A_452, %swap3A_453] {strides = array<i32>} : memref<64x128xf32, #tpu.memory_space<vmem>>, vector<16xf32>,
        tpu.vector_store %arg10[%swap3A_452, %swap3A_453], %gather3A_451 {strides = array<i32>} : memref<64x128xf32, #tpu.memory_space<vmem>>, vector<16xf32>,
        %iota3A_455 = tpu.iota {dimensions = array<i32: 0>} : vector<16xi32>
        %add3A_456 = arith.constant 80 : i32
        %add3A_457 = vector.broadcast %add3A_456 : i32 to vector<16xi32>
        %add3A_458 = arith.addi %iota3A_455, %add3A_457 : vector<16xi32>
        %gather3A_459 = tpu.vector_load_idx %arg8[%add3A_458, %add3A_414] : memref<128x64xf32, #tpu.memory_space<vmem>>[vector<16xi32>, vector<16xi32>], vector<16xf32>,
        %swap3A_460 = arith.index_cast %add3A_410 : i32 to index
        %swap3A_461 = arith.constant 80 : index
        %swap3A_462 = tpu.vector_load %arg10[%swap3A_460, %swap3A_461] {strides = array<i32>} : memref<64x128xf32, #tpu.memory_space<vmem>>, vector<16xf32>,
        tpu.vector_store %arg10[%swap3A_460, %swap3A_461], %gather3A_459 {strides = array<i32>} : memref<64x128xf32, #tpu.memory_space<vmem>>, vector<16xf32>,
        %iota3A_463 = tpu.iota {dimensions = array<i32: 0>} : vector<16xi32>
        %add3A_464 = arith.constant 96 : i32
        %add3A_465 = vector.broadcast %add3A_464 : i32 to vector<16xi32>
        %add3A_466 = arith.addi %iota3A_463, %add3A_465 : vector<16xi32>
        %gather3A_467 = tpu.vector_load_idx %arg8[%add3A_466, %add3A_414] : memref<128x64xf32, #tpu.memory_space<vmem>>[vector<16xi32>, vector<16xi32>], vector<16xf32>,
        %swap3A_468 = arith.index_cast %add3A_410 : i32 to index
        %swap3A_469 = arith.constant 96 : index
        %swap3A_470 = tpu.vector_load %arg10[%swap3A_468, %swap3A_469] {strides = array<i32>} : memref<64x128xf32, #tpu.memory_space<vmem>>, vector<16xf32>,
        tpu.vector_store %arg10[%swap3A_468, %swap3A_469], %gather3A_467 {strides = array<i32>} : memref<64x128xf32, #tpu.memory_space<vmem>>, vector<16xf32>,
        %iota3A_471 = tpu.iota {dimensions = array<i32: 0>} : vector<16xi32>
        %add3A_472 = arith.constant 112 : i32
        %add3A_473 = vector.broadcast %add3A_472 : i32 to vector<16xi32>
        %add3A_474 = arith.addi %iota3A_471, %add3A_473 : vector<16xi32>
        %gather3A_475 = tpu.vector_load_idx %arg8[%add3A_474, %add3A_414] : memref<128x64xf32, #tpu.memory_space<vmem>>[vector<16xi32>, vector<16xi32>], vector<16xf32>,
        %swap3A_476 = arith.index_cast %add3A_410 : i32 to index
        %swap3A_477 = arith.constant 112 : index
        %swap3A_478 = tpu.vector_load %arg10[%swap3A_476, %swap3A_477] {strides = array<i32>} : memref<64x128xf32, #tpu.memory_space<vmem>>, vector<16xf32>,
        tpu.vector_store %arg10[%swap3A_476, %swap3A_477], %gather3A_475 {strides = array<i32>} : memref<64x128xf32, #tpu.memory_space<vmem>>, vector<16xf32>,
        %scan3A_479 = arith.constant 0 : i32
        scf.yield %scan3A_479 : i32
      }
      %scan3A_236 = arith.constant 32 : i32
      %mul3A_237 = arith.constant 128 : i32
      %mul3A_238 = arith.muli %add3A_211, %mul3A_237 : i32
      %add3A_239 = arith.addi %mul3A_2, %mul3A_238 : i32
      %jit3A_240 = arith.constant 4096 : i32
      %div3A_241 = arith.divsi %add3A_239, %jit3A_240 : i32
      %sign3A_242 = arith.constant 0 : i32
      %sign3A_243 = arith.cmpi sgt, %add3A_239, %sign3A_242 : i32
      %sign3A_244 = arith.extui %sign3A_243 : i1 to i32
      %sign3A_245 = arith.constant 0 : i32
      %sign3A_246 = arith.cmpi slt, %add3A_239, %sign3A_245 : i32
      %sign3A_247 = arith.extui %sign3A_246 : i1 to i32
      %sign3A_248 = arith.subi %sign3A_244, %sign3A_247 : i32
      %sign3A_249 = arith.constant 0 : i32
      %sign3A_250 = arith.cmpi sgt, %jit3A_240, %sign3A_249 : i32
      %sign3A_251 = arith.extui %sign3A_250 : i1 to i32
      %sign3A_252 = arith.constant 0 : i32
      %sign3A_253 = arith.cmpi slt, %jit3A_240, %sign3A_252 : i32
      %sign3A_254 = arith.extui %sign3A_253 : i1 to i32
      %sign3A_255 = arith.subi %sign3A_251, %sign3A_254 : i32
      %ne3A_256 = arith.cmpi ne, %sign3A_248, %sign3A_255 : i32
      %rem3A_257 = arith.remsi %add3A_239, %jit3A_240 : i32
      %ne3A_258 = arith.constant 0 : i32
      %ne3A_259 = arith.cmpi ne, %rem3A_257, %ne3A_258 : i32
      %and3A_260 = arith.andi %ne3A_256, %ne3A_259 : i1
      %sub3A_261 = arith.constant 1 : i32
      %sub3A_262 = arith.subi %div3A_241, %sub3A_261 : i32
      %select_n3A_263 = arith.select %and3A_260, %sub3A_262, %div3A_241 : i32
      %rem3A_264 = arith.constant 4096 : i32
      %rem3A_265 = arith.remsi %add3A_239, %rem3A_264 : i32
      %dma_start3A_266 = arith.constant 0 : i32
      %dma_start3A_267 = tpu.memref_slice %arg4[%select_n3A_263, %dma_start3A_266, %rem3A_265] : memref<200x64x4096xf32, #tpu.memory_space<hbm>> -> memref<1x64x128xf32, #tpu.memory_space<hbm>>
      %dma_start3A_268 = tpu.memref_squeeze %dma_start3A_267 : memref<1x64x128xf32, #tpu.memory_space<hbm>> -> memref<64x128xf32, #tpu.memory_space<hbm>>
      %dma_start3A_269 = arith.constant 0 : i32
      %dma_start3A_270 = tpu.memref_slice %arg4[%select_n3A_263, %dma_start3A_269, %rem3A_265] : memref<200x64x4096xf32, #tpu.memory_space<hbm>> -> memref<1x64x128xf32, #tpu.memory_space<hbm>>
      %dma_start3A_271 = tpu.memref_squeeze %dma_start3A_270 : memref<1x64x128xf32, #tpu.memory_space<hbm>> -> memref<64x128xf32, #tpu.memory_space<hbm>>
      tpu.enqueue_dma source(%arg10 : memref<64x128xf32, #tpu.memory_space<vmem>>) target(%dma_start3A_271 : memref<64x128xf32, #tpu.memory_space<hbm>>) target_semaphore(%arg16 : memref<!tpu.dma_semaphore, #tpu.memory_space<semaphore_mem>>)
      %mul3A_272 = arith.constant 4 : i32
      %mul3A_273 = arith.muli %scan3A_82, %mul3A_272 : i32
      %add3A_274 = arith.constant 3 : i32
      %add3A_275 = arith.addi %mul3A_273, %add3A_274 : i32
      %add3A_276 = arith.constant 3 : i32
      %add3A_277 = arith.addi %add3A_275, %add3A_276 : i32
      %lt3A_278 = arith.constant 200 : i32
      %lt3A_279 = arith.cmpi slt, %add3A_277, %lt3A_278 : i32
      %convert_element_type3A_280 = arith.extui %lt3A_279 : i1 to i32
      %cond3A_281 = arith.constant 0 : i32
      %cond3A_282 = arith.cmpi ne, %convert_element_type3A_280, %cond3A_281 : i32
      scf.if %cond3A_282 {
        %mul3A_337 = arith.constant 128 : i32
        %mul3A_338 = arith.muli %add3A_277, %mul3A_337 : i32
        %dma_start3A_339 = tpu.memref_slice %arg5[%mul3A_338] : memref<25600xi32, #tpu.memory_space<vmem>> -> memref<128xi32, #tpu.memory_space<vmem>>
        %dma_start3A_340 = arith.constant 0 : i32
        %dma_start3A_341 = arith.constant 0 : i32
        %dma_start3A_342 = tpu.memref_slice %arg3[%dma_start3A_340, %dma_start3A_341] : memref<1000000x64xf32, #tpu.memory_space<hbm>> -> memref<1000000x64xf32, #tpu.memory_space<hbm>>
        tpu.enqueue_indirect_dma source(%dma_start3A_342 : memref<1000000x64xf32, #tpu.memory_space<hbm>>) target(%arg8 : memref<128x64xf32, #tpu.memory_space<vmem>>) offsets(%dma_start3A_339 : memref<128xi32, #tpu.memory_space<vmem>>) semaphore(%arg14 : memref<!tpu.dma_semaphore, #tpu.memory_space<semaphore_mem>>)
      } else {
      }
      %mul3A_283 = arith.constant 128 : i32
      %mul3A_284 = arith.muli %add3A_275, %mul3A_283 : i32
      %dma_wait3A_285 = tpu.memref_slice %arg5[%mul3A_284] : memref<25600xi32, #tpu.memory_space<vmem>> -> memref<128xi32, #tpu.memory_space<vmem>>
      %dma_wait3A_286 = arith.constant 0 : i32
      %dma_wait3A_287 = arith.constant 0 : i32
      %dma_wait3A_288 = tpu.memref_slice %arg3[%dma_wait3A_286, %dma_wait3A_287] : memref<1000000x64xf32, #tpu.memory_space<hbm>> -> memref<1000000x64xf32, #tpu.memory_space<hbm>>
      tpu.wait_indirect_dma semaphore(%arg15 : memref<!tpu.dma_semaphore, #tpu.memory_space<semaphore_mem>>) src(%dma_wait3A_288 : memref<1000000x64xf32, #tpu.memory_space<hbm>>) dst(%arg9 : memref<128x64xf32, #tpu.memory_space<vmem>>)
      %ge3A_289 = arith.constant 2 : i32
      %ge3A_290 = arith.cmpi sge, %add3A_275, %ge3A_289 : i32
      %convert_element_type3A_291 = arith.extui %ge3A_290 : i1 to i32
      %cond3A_292 = arith.constant 0 : i32
      %cond3A_293 = arith.cmpi ne, %convert_element_type3A_291, %cond3A_292 : i32
      scf.if %cond3A_293 {
        %sub3A_337 = arith.constant 2 : i32
        %sub3A_338 = arith.subi %add3A_275, %sub3A_337 : i32
        %mul3A_339 = arith.constant 128 : i32
        %mul3A_340 = arith.muli %sub3A_338, %mul3A_339 : i32
        %add3A_341 = arith.addi %mul3A_2, %mul3A_340 : i32
        %jit3A_342 = arith.constant 4096 : i32
        %div3A_343 = arith.divsi %add3A_341, %jit3A_342 : i32
        %sign3A_344 = arith.constant 0 : i32
        %sign3A_345 = arith.cmpi sgt, %add3A_341, %sign3A_344 : i32
        %sign3A_346 = arith.extui %sign3A_345 : i1 to i32
        %sign3A_347 = arith.constant 0 : i32
        %sign3A_348 = arith.cmpi slt, %add3A_341, %sign3A_347 : i32
        %sign3A_349 = arith.extui %sign3A_348 : i1 to i32
        %sign3A_350 = arith.subi %sign3A_346, %sign3A_349 : i32
        %sign3A_351 = arith.constant 0 : i32
        %sign3A_352 = arith.cmpi sgt, %jit3A_342, %sign3A_351 : i32
        %sign3A_353 = arith.extui %sign3A_352 : i1 to i32
        %sign3A_354 = arith.constant 0 : i32
        %sign3A_355 = arith.cmpi slt, %jit3A_342, %sign3A_354 : i32
        %sign3A_356 = arith.extui %sign3A_355 : i1 to i32
        %sign3A_357 = arith.subi %sign3A_353, %sign3A_356 : i32
        %ne3A_358 = arith.cmpi ne, %sign3A_350, %sign3A_357 : i32
        %rem3A_359 = arith.remsi %add3A_341, %jit3A_342 : i32
        %ne3A_360 = arith.constant 0 : i32
        %ne3A_361 = arith.cmpi ne, %rem3A_359, %ne3A_360 : i32
        %and3A_362 = arith.andi %ne3A_358, %ne3A_361 : i1
        %sub3A_363 = arith.constant 1 : i32
        %sub3A_364 = arith.subi %div3A_343, %sub3A_363 : i32
        %select_n3A_365 = arith.select %and3A_362, %sub3A_364, %div3A_343 : i32
        %rem3A_366 = arith.constant 4096 : i32
        %rem3A_367 = arith.remsi %add3A_341, %rem3A_366 : i32
        %dma_wait3A_368 = arith.constant 0 : i32
        %dma_wait3A_369 = tpu.memref_slice %arg4[%select_n3A_365, %dma_wait3A_368, %rem3A_367] : memref<200x64x4096xf32, #tpu.memory_space<hbm>> -> memref<1x64x128xf32, #tpu.memory_space<hbm>>
        %dma_wait3A_370 = tpu.memref_squeeze %dma_wait3A_369 : memref<1x64x128xf32, #tpu.memory_space<hbm>> -> memref<64x128xf32, #tpu.memory_space<hbm>>
        %dma_wait3A_371 = arith.constant 0 : i32
        %dma_wait3A_372 = tpu.memref_slice %arg4[%select_n3A_365, %dma_wait3A_371, %rem3A_367] : memref<200x64x4096xf32, #tpu.memory_space<hbm>> -> memref<1x64x128xf32, #tpu.memory_space<hbm>>
        %dma_wait3A_373 = tpu.memref_squeeze %dma_wait3A_372 : memref<1x64x128xf32, #tpu.memory_space<hbm>> -> memref<64x128xf32, #tpu.memory_space<hbm>>
        tpu.wait_dma2 semaphore(%arg17 : memref<!tpu.dma_semaphore, #tpu.memory_space<semaphore_mem>>) src(%arg11 : memref<64x128xf32, #tpu.memory_space<vmem>>) dst(%dma_wait3A_373 : memref<64x128xf32, #tpu.memory_space<hbm>>)
      } else {
      }
      %scan3A_294 = arith.constant 0 : i32
      %scan3A_295 = arith.constant 0 : i32
      %scan3A_296 = arith.constant 32 : i32
      %scan3A_297 = arith.addi %scan3A_295, %scan3A_296 : i32
      %scan3A_298 = arith.constant 1 : i32
      %scan3A_299 = scf.for %scan3A_337 = %scan3A_295 to %scan3A_297 step %scan3A_298 iter_args(%scan3A_338 = %scan3A_294) -> (i32)  : i32 {
        %mul3A_339 = arith.constant 2 : i32
        %mul3A_340 = arith.muli %scan3A_337, %mul3A_339 : i32
        %add3A_341 = arith.constant 0 : i32
        %add3A_342 = arith.addi %mul3A_340, %add3A_341 : i32
        %broadcast_in_dim3A = arith.constant 0 : i32
        %broadcast_in_dim3A_343 = vector.broadcast %broadcast_in_dim3A : i32 to vector<16xi32>
        %add3A_344 = vector.broadcast %add3A_342 : i32 to vector<16xi32>
        %add3A_345 = arith.addi %broadcast_in_dim3A_343, %add3A_344 : vector<16xi32>
        %iota3A = tpu.iota {dimensions = array<i32: 0>} : vector<16xi32>
        %add3A_346 = arith.constant 0 : i32
        %add3A_347 = vector.broadcast %add3A_346 : i32 to vector<16xi32>
        %add3A_348 = arith.addi %iota3A, %add3A_347 : vector<16xi32>
        %gather3A = tpu.vector_load_idx %arg9[%add3A_348, %add3A_345] : memref<128x64xf32, #tpu.memory_space<vmem>>[vector<16xi32>, vector<16xi32>], vector<16xf32>,
        %swap3A = arith.index_cast %add3A_342 : i32 to index
        %swap3A_349 = arith.constant 0 : index
        %swap3A_350 = tpu.vector_load %arg11[%swap3A, %swap3A_349] {strides = array<i32>} : memref<64x128xf32, #tpu.memory_space<vmem>>, vector<16xf32>,
        tpu.vector_store %arg11[%swap3A, %swap3A_349], %gather3A {strides = array<i32>} : memref<64x128xf32, #tpu.memory_space<vmem>>, vector<16xf32>,
        %iota3A_351 = tpu.iota {dimensions = array<i32: 0>} : vector<16xi32>
        %add3A_352 = arith.constant 16 : i32
        %add3A_353 = vector.broadcast %add3A_352 : i32 to vector<16xi32>
        %add3A_354 = arith.addi %iota3A_351, %add3A_353 : vector<16xi32>
        %gather3A_355 = tpu.vector_load_idx %arg9[%add3A_354, %add3A_345] : memref<128x64xf32, #tpu.memory_space<vmem>>[vector<16xi32>, vector<16xi32>], vector<16xf32>,
        %swap3A_356 = arith.index_cast %add3A_342 : i32 to index
        %swap3A_357 = arith.constant 16 : index
        %swap3A_358 = tpu.vector_load %arg11[%swap3A_356, %swap3A_357] {strides = array<i32>} : memref<64x128xf32, #tpu.memory_space<vmem>>, vector<16xf32>,
        tpu.vector_store %arg11[%swap3A_356, %swap3A_357], %gather3A_355 {strides = array<i32>} : memref<64x128xf32, #tpu.memory_space<vmem>>, vector<16xf32>,
        %iota3A_359 = tpu.iota {dimensions = array<i32: 0>} : vector<16xi32>
        %add3A_360 = arith.constant 32 : i32
        %add3A_361 = vector.broadcast %add3A_360 : i32 to vector<16xi32>
        %add3A_362 = arith.addi %iota3A_359, %add3A_361 : vector<16xi32>
        %gather3A_363 = tpu.vector_load_idx %arg9[%add3A_362, %add3A_345] : memref<128x64xf32, #tpu.memory_space<vmem>>[vector<16xi32>, vector<16xi32>], vector<16xf32>,
        %swap3A_364 = arith.index_cast %add3A_342 : i32 to index
        %swap3A_365 = arith.constant 32 : index
        %swap3A_366 = tpu.vector_load %arg11[%swap3A_364, %swap3A_365] {strides = array<i32>} : memref<64x128xf32, #tpu.memory_space<vmem>>, vector<16xf32>,
        tpu.vector_store %arg11[%swap3A_364, %swap3A_365], %gather3A_363 {strides = array<i32>} : memref<64x128xf32, #tpu.memory_space<vmem>>, vector<16xf32>,
        %iota3A_367 = tpu.iota {dimensions = array<i32: 0>} : vector<16xi32>
        %add3A_368 = arith.constant 48 : i32
        %add3A_369 = vector.broadcast %add3A_368 : i32 to vector<16xi32>
        %add3A_370 = arith.addi %iota3A_367, %add3A_369 : vector<16xi32>
        %gather3A_371 = tpu.vector_load_idx %arg9[%add3A_370, %add3A_345] : memref<128x64xf32, #tpu.memory_space<vmem>>[vector<16xi32>, vector<16xi32>], vector<16xf32>,
        %swap3A_372 = arith.index_cast %add3A_342 : i32 to index
        %swap3A_373 = arith.constant 48 : index
        %swap3A_374 = tpu.vector_load %arg11[%swap3A_372, %swap3A_373] {strides = array<i32>} : memref<64x128xf32, #tpu.memory_space<vmem>>, vector<16xf32>,
        tpu.vector_store %arg11[%swap3A_372, %swap3A_373], %gather3A_371 {strides = array<i32>} : memref<64x128xf32, #tpu.memory_space<vmem>>, vector<16xf32>,
        %iota3A_375 = tpu.iota {dimensions = array<i32: 0>} : vector<16xi32>
        %add3A_376 = arith.constant 64 : i32
        %add3A_377 = vector.broadcast %add3A_376 : i32 to vector<16xi32>
        %add3A_378 = arith.addi %iota3A_375, %add3A_377 : vector<16xi32>
        %gather3A_379 = tpu.vector_load_idx %arg9[%add3A_378, %add3A_345] : memref<128x64xf32, #tpu.memory_space<vmem>>[vector<16xi32>, vector<16xi32>], vector<16xf32>,
        %swap3A_380 = arith.index_cast %add3A_342 : i32 to index
        %swap3A_381 = arith.constant 64 : index
        %swap3A_382 = tpu.vector_load %arg11[%swap3A_380, %swap3A_381] {strides = array<i32>} : memref<64x128xf32, #tpu.memory_space<vmem>>, vector<16xf32>,
        tpu.vector_store %arg11[%swap3A_380, %swap3A_381], %gather3A_379 {strides = array<i32>} : memref<64x128xf32, #tpu.memory_space<vmem>>, vector<16xf32>,
        %iota3A_383 = tpu.iota {dimensions = array<i32: 0>} : vector<16xi32>
        %add3A_384 = arith.constant 80 : i32
        %add3A_385 = vector.broadcast %add3A_384 : i32 to vector<16xi32>
        %add3A_386 = arith.addi %iota3A_383, %add3A_385 : vector<16xi32>
        %gather3A_387 = tpu.vector_load_idx %arg9[%add3A_386, %add3A_345] : memref<128x64xf32, #tpu.memory_space<vmem>>[vector<16xi32>, vector<16xi32>], vector<16xf32>,
        %swap3A_388 = arith.index_cast %add3A_342 : i32 to index
        %swap3A_389 = arith.constant 80 : index
        %swap3A_390 = tpu.vector_load %arg11[%swap3A_388, %swap3A_389] {strides = array<i32>} : memref<64x128xf32, #tpu.memory_space<vmem>>, vector<16xf32>,
        tpu.vector_store %arg11[%swap3A_388, %swap3A_389], %gather3A_387 {strides = array<i32>} : memref<64x128xf32, #tpu.memory_space<vmem>>, vector<16xf32>,
        %iota3A_391 = tpu.iota {dimensions = array<i32: 0>} : vector<16xi32>
        %add3A_392 = arith.constant 96 : i32
        %add3A_393 = vector.broadcast %add3A_392 : i32 to vector<16xi32>
        %add3A_394 = arith.addi %iota3A_391, %add3A_393 : vector<16xi32>
        %gather3A_395 = tpu.vector_load_idx %arg9[%add3A_394, %add3A_345] : memref<128x64xf32, #tpu.memory_space<vmem>>[vector<16xi32>, vector<16xi32>], vector<16xf32>,
        %swap3A_396 = arith.index_cast %add3A_342 : i32 to index
        %swap3A_397 = arith.constant 96 : index
        %swap3A_398 = tpu.vector_load %arg11[%swap3A_396, %swap3A_397] {strides = array<i32>} : memref<64x128xf32, #tpu.memory_space<vmem>>, vector<16xf32>,
        tpu.vector_store %arg11[%swap3A_396, %swap3A_397], %gather3A_395 {strides = array<i32>} : memref<64x128xf32, #tpu.memory_space<vmem>>, vector<16xf32>,
        %iota3A_399 = tpu.iota {dimensions = array<i32: 0>} : vector<16xi32>
        %add3A_400 = arith.constant 112 : i32
        %add3A_401 = vector.broadcast %add3A_400 : i32 to vector<16xi32>
        %add3A_402 = arith.addi %iota3A_399, %add3A_401 : vector<16xi32>
        %gather3A_403 = tpu.vector_load_idx %arg9[%add3A_402, %add3A_345] : memref<128x64xf32, #tpu.memory_space<vmem>>[vector<16xi32>, vector<16xi32>], vector<16xf32>,
        %swap3A_404 = arith.index_cast %add3A_342 : i32 to index
        %swap3A_405 = arith.constant 112 : index
        %swap3A_406 = tpu.vector_load %arg11[%swap3A_404, %swap3A_405] {strides = array<i32>} : memref<64x128xf32, #tpu.memory_space<vmem>>, vector<16xf32>,
        tpu.vector_store %arg11[%swap3A_404, %swap3A_405], %gather3A_403 {strides = array<i32>} : memref<64x128xf32, #tpu.memory_space<vmem>>, vector<16xf32>,
        %mul3A_407 = arith.constant 2 : i32
        %mul3A_408 = arith.muli %scan3A_337, %mul3A_407 : i32
        %add3A_409 = arith.constant 1 : i32
        %add3A_410 = arith.addi %mul3A_408, %add3A_409 : i32
        %broadcast_in_dim3A_411 = arith.constant 0 : i32
        %broadcast_in_dim3A_412 = vector.broadcast %broadcast_in_dim3A_411 : i32 to vector<16xi32>
        %add3A_413 = vector.broadcast %add3A_410 : i32 to vector<16xi32>
        %add3A_414 = arith.addi %broadcast_in_dim3A_412, %add3A_413 : vector<16xi32>
        %iota3A_415 = tpu.iota {dimensions = array<i32: 0>} : vector<16xi32>
        %add3A_416 = arith.constant 0 : i32
        %add3A_417 = vector.broadcast %add3A_416 : i32 to vector<16xi32>
        %add3A_418 = arith.addi %iota3A_415, %add3A_417 : vector<16xi32>
        %gather3A_419 = tpu.vector_load_idx %arg9[%add3A_418, %add3A_414] : memref<128x64xf32, #tpu.memory_space<vmem>>[vector<16xi32>, vector<16xi32>], vector<16xf32>,
        %swap3A_420 = arith.index_cast %add3A_410 : i32 to index
        %swap3A_421 = arith.constant 0 : index
        %swap3A_422 = tpu.vector_load %arg11[%swap3A_420, %swap3A_421] {strides = array<i32>} : memref<64x128xf32, #tpu.memory_space<vmem>>, vector<16xf32>,
        tpu.vector_store %arg11[%swap3A_420, %swap3A_421], %gather3A_419 {strides = array<i32>} : memref<64x128xf32, #tpu.memory_space<vmem>>, vector<16xf32>,
        %iota3A_423 = tpu.iota {dimensions = array<i32: 0>} : vector<16xi32>
        %add3A_424 = arith.constant 16 : i32
        %add3A_425 = vector.broadcast %add3A_424 : i32 to vector<16xi32>
        %add3A_426 = arith.addi %iota3A_423, %add3A_425 : vector<16xi32>
        %gather3A_427 = tpu.vector_load_idx %arg9[%add3A_426, %add3A_414] : memref<128x64xf32, #tpu.memory_space<vmem>>[vector<16xi32>, vector<16xi32>], vector<16xf32>,
        %swap3A_428 = arith.index_cast %add3A_410 : i32 to index
        %swap3A_429 = arith.constant 16 : index
        %swap3A_430 = tpu.vector_load %arg11[%swap3A_428, %swap3A_429] {strides = array<i32>} : memref<64x128xf32, #tpu.memory_space<vmem>>, vector<16xf32>,
        tpu.vector_store %arg11[%swap3A_428, %swap3A_429], %gather3A_427 {strides = array<i32>} : memref<64x128xf32, #tpu.memory_space<vmem>>, vector<16xf32>,
        %iota3A_431 = tpu.iota {dimensions = array<i32: 0>} : vector<16xi32>
        %add3A_432 = arith.constant 32 : i32
        %add3A_433 = vector.broadcast %add3A_432 : i32 to vector<16xi32>
        %add3A_434 = arith.addi %iota3A_431, %add3A_433 : vector<16xi32>
        %gather3A_435 = tpu.vector_load_idx %arg9[%add3A_434, %add3A_414] : memref<128x64xf32, #tpu.memory_space<vmem>>[vector<16xi32>, vector<16xi32>], vector<16xf32>,
        %swap3A_436 = arith.index_cast %add3A_410 : i32 to index
        %swap3A_437 = arith.constant 32 : index
        %swap3A_438 = tpu.vector_load %arg11[%swap3A_436, %swap3A_437] {strides = array<i32>} : memref<64x128xf32, #tpu.memory_space<vmem>>, vector<16xf32>,
        tpu.vector_store %arg11[%swap3A_436, %swap3A_437], %gather3A_435 {strides = array<i32>} : memref<64x128xf32, #tpu.memory_space<vmem>>, vector<16xf32>,
        %iota3A_439 = tpu.iota {dimensions = array<i32: 0>} : vector<16xi32>
        %add3A_440 = arith.constant 48 : i32
        %add3A_441 = vector.broadcast %add3A_440 : i32 to vector<16xi32>
        %add3A_442 = arith.addi %iota3A_439, %add3A_441 : vector<16xi32>
        %gather3A_443 = tpu.vector_load_idx %arg9[%add3A_442, %add3A_414] : memref<128x64xf32, #tpu.memory_space<vmem>>[vector<16xi32>, vector<16xi32>], vector<16xf32>,
        %swap3A_444 = arith.index_cast %add3A_410 : i32 to index
        %swap3A_445 = arith.constant 48 : index
        %swap3A_446 = tpu.vector_load %arg11[%swap3A_444, %swap3A_445] {strides = array<i32>} : memref<64x128xf32, #tpu.memory_space<vmem>>, vector<16xf32>,
        tpu.vector_store %arg11[%swap3A_444, %swap3A_445], %gather3A_443 {strides = array<i32>} : memref<64x128xf32, #tpu.memory_space<vmem>>, vector<16xf32>,
        %iota3A_447 = tpu.iota {dimensions = array<i32: 0>} : vector<16xi32>
        %add3A_448 = arith.constant 64 : i32
        %add3A_449 = vector.broadcast %add3A_448 : i32 to vector<16xi32>
        %add3A_450 = arith.addi %iota3A_447, %add3A_449 : vector<16xi32>
        %gather3A_451 = tpu.vector_load_idx %arg9[%add3A_450, %add3A_414] : memref<128x64xf32, #tpu.memory_space<vmem>>[vector<16xi32>, vector<16xi32>], vector<16xf32>,
        %swap3A_452 = arith.index_cast %add3A_410 : i32 to index
        %swap3A_453 = arith.constant 64 : index
        %swap3A_454 = tpu.vector_load %arg11[%swap3A_452, %swap3A_453] {strides = array<i32>} : memref<64x128xf32, #tpu.memory_space<vmem>>, vector<16xf32>,
        tpu.vector_store %arg11[%swap3A_452, %swap3A_453], %gather3A_451 {strides = array<i32>} : memref<64x128xf32, #tpu.memory_space<vmem>>, vector<16xf32>,
        %iota3A_455 = tpu.iota {dimensions = array<i32: 0>} : vector<16xi32>
        %add3A_456 = arith.constant 80 : i32
        %add3A_457 = vector.broadcast %add3A_456 : i32 to vector<16xi32>
        %add3A_458 = arith.addi %iota3A_455, %add3A_457 : vector<16xi32>
        %gather3A_459 = tpu.vector_load_idx %arg9[%add3A_458, %add3A_414] : memref<128x64xf32, #tpu.memory_space<vmem>>[vector<16xi32>, vector<16xi32>], vector<16xf32>,
        %swap3A_460 = arith.index_cast %add3A_410 : i32 to index
        %swap3A_461 = arith.constant 80 : index
        %swap3A_462 = tpu.vector_load %arg11[%swap3A_460, %swap3A_461] {strides = array<i32>} : memref<64x128xf32, #tpu.memory_space<vmem>>, vector<16xf32>,
        tpu.vector_store %arg11[%swap3A_460, %swap3A_461], %gather3A_459 {strides = array<i32>} : memref<64x128xf32, #tpu.memory_space<vmem>>, vector<16xf32>,
        %iota3A_463 = tpu.iota {dimensions = array<i32: 0>} : vector<16xi32>
        %add3A_464 = arith.constant 96 : i32
        %add3A_465 = vector.broadcast %add3A_464 : i32 to vector<16xi32>
        %add3A_466 = arith.addi %iota3A_463, %add3A_465 : vector<16xi32>
        %gather3A_467 = tpu.vector_load_idx %arg9[%add3A_466, %add3A_414] : memref<128x64xf32, #tpu.memory_space<vmem>>[vector<16xi32>, vector<16xi32>], vector<16xf32>,
        %swap3A_468 = arith.index_cast %add3A_410 : i32 to index
        %swap3A_469 = arith.constant 96 : index
        %swap3A_470 = tpu.vector_load %arg11[%swap3A_468, %swap3A_469] {strides = array<i32>} : memref<64x128xf32, #tpu.memory_space<vmem>>, vector<16xf32>,
        tpu.vector_store %arg11[%swap3A_468, %swap3A_469], %gather3A_467 {strides = array<i32>} : memref<64x128xf32, #tpu.memory_space<vmem>>, vector<16xf32>,
        %iota3A_471 = tpu.iota {dimensions = array<i32: 0>} : vector<16xi32>
        %add3A_472 = arith.constant 112 : i32
        %add3A_473 = vector.broadcast %add3A_472 : i32 to vector<16xi32>
        %add3A_474 = arith.addi %iota3A_471, %add3A_473 : vector<16xi32>
        %gather3A_475 = tpu.vector_load_idx %arg9[%add3A_474, %add3A_414] : memref<128x64xf32, #tpu.memory_space<vmem>>[vector<16xi32>, vector<16xi32>], vector<16xf32>,
        %swap3A_476 = arith.index_cast %add3A_410 : i32 to index
        %swap3A_477 = arith.constant 112 : index
        %swap3A_478 = tpu.vector_load %arg11[%swap3A_476, %swap3A_477] {strides = array<i32>} : memref<64x128xf32, #tpu.memory_space<vmem>>, vector<16xf32>,
        tpu.vector_store %arg11[%swap3A_476, %swap3A_477], %gather3A_475 {strides = array<i32>} : memref<64x128xf32, #tpu.memory_space<vmem>>, vector<16xf32>,
        %scan3A_479 = arith.constant 0 : i32
        scf.yield %scan3A_479 : i32
      }
      %scan3A_300 = arith.constant 32 : i32
      %mul3A_301 = arith.constant 128 : i32
      %mul3A_302 = arith.muli %add3A_275, %mul3A_301 : i32
      %add3A_303 = arith.addi %mul3A_2, %mul3A_302 : i32
      %jit3A_304 = arith.constant 4096 : i32
      %div3A_305 = arith.divsi %add3A_303, %jit3A_304 : i32
      %sign3A_306 = arith.constant 0 : i32
      %sign3A_307 = arith.cmpi sgt, %add3A_303, %sign3A_306 : i32
      %sign3A_308 = arith.extui %sign3A_307 : i1 to i32
      %sign3A_309 = arith.constant 0 : i32
      %sign3A_310 = arith.cmpi slt, %add3A_303, %sign3A_309 : i32
      %sign3A_311 = arith.extui %sign3A_310 : i1 to i32
      %sign3A_312 = arith.subi %sign3A_308, %sign3A_311 : i32
      %sign3A_313 = arith.constant 0 : i32
      %sign3A_314 = arith.cmpi sgt, %jit3A_304, %sign3A_313 : i32
      %sign3A_315 = arith.extui %sign3A_314 : i1 to i32
      %sign3A_316 = arith.constant 0 : i32
      %sign3A_317 = arith.cmpi slt, %jit3A_304, %sign3A_316 : i32
      %sign3A_318 = arith.extui %sign3A_317 : i1 to i32
      %sign3A_319 = arith.subi %sign3A_315, %sign3A_318 : i32
      %ne3A_320 = arith.cmpi ne, %sign3A_312, %sign3A_319 : i32
      %rem3A_321 = arith.remsi %add3A_303, %jit3A_304 : i32
      %ne3A_322 = arith.constant 0 : i32
      %ne3A_323 = arith.cmpi ne, %rem3A_321, %ne3A_322 : i32
      %and3A_324 = arith.andi %ne3A_320, %ne3A_323 : i1
      %sub3A_325 = arith.constant 1 : i32
      %sub3A_326 = arith.subi %div3A_305, %sub3A_325 : i32
      %select_n3A_327 = arith.select %and3A_324, %sub3A_326, %div3A_305 : i32
      %rem3A_328 = arith.constant 4096 : i32
      %rem3A_329 = arith.remsi %add3A_303, %rem3A_328 : i32
      %dma_start3A_330 = arith.constant 0 : i32
      %dma_start3A_331 = tpu.memref_slice %arg4[%select_n3A_327, %dma_start3A_330, %rem3A_329] : memref<200x64x4096xf32, #tpu.memory_space<hbm>> -> memref<1x64x128xf32, #tpu.memory_space<hbm>>
      %dma_start3A_332 = tpu.memref_squeeze %dma_start3A_331 : memref<1x64x128xf32, #tpu.memory_space<hbm>> -> memref<64x128xf32, #tpu.memory_space<hbm>>
      %dma_start3A_333 = arith.constant 0 : i32
      %dma_start3A_334 = tpu.memref_slice %arg4[%select_n3A_327, %dma_start3A_333, %rem3A_329] : memref<200x64x4096xf32, #tpu.memory_space<hbm>> -> memref<1x64x128xf32, #tpu.memory_space<hbm>>
      %dma_start3A_335 = tpu.memref_squeeze %dma_start3A_334 : memref<1x64x128xf32, #tpu.memory_space<hbm>> -> memref<64x128xf32, #tpu.memory_space<hbm>>
      tpu.enqueue_dma source(%arg11 : memref<64x128xf32, #tpu.memory_space<vmem>>) target(%dma_start3A_335 : memref<64x128xf32, #tpu.memory_space<hbm>>) target_semaphore(%arg17 : memref<!tpu.dma_semaphore, #tpu.memory_space<semaphore_mem>>)
      %scan3A_336 = arith.constant 0 : i32
      scf.yield %scan3A_336 : i32
    }
    %scan3A_22 = arith.constant 50 : i32
    %add3A_23 = arith.constant 25344 : i32
    %add3A_24 = arith.addi %mul3A_2, %add3A_23 : i32
    %jit3A = arith.constant 4096 : i32
    %div3A = arith.divsi %add3A_24, %jit3A : i32
    %sign3A = arith.constant 0 : i32
    %sign3A_25 = arith.cmpi sgt, %add3A_24, %sign3A : i32
    %sign3A_26 = arith.extui %sign3A_25 : i1 to i32
    %sign3A_27 = arith.constant 0 : i32
    %sign3A_28 = arith.cmpi slt, %add3A_24, %sign3A_27 : i32
    %sign3A_29 = arith.extui %sign3A_28 : i1 to i32
    %sign3A_30 = arith.subi %sign3A_26, %sign3A_29 : i32
    %sign3A_31 = arith.constant 0 : i32
    %sign3A_32 = arith.cmpi sgt, %jit3A, %sign3A_31 : i32
    %sign3A_33 = arith.extui %sign3A_32 : i1 to i32
    %sign3A_34 = arith.constant 0 : i32
    %sign3A_35 = arith.cmpi slt, %jit3A, %sign3A_34 : i32
    %sign3A_36 = arith.extui %sign3A_35 : i1 to i32
    %sign3A_37 = arith.subi %sign3A_33, %sign3A_36 : i32
    %ne3A = arith.cmpi ne, %sign3A_30, %sign3A_37 : i32
    %rem3A = arith.remsi %add3A_24, %jit3A : i32
    %ne3A_38 = arith.constant 0 : i32
    %ne3A_39 = arith.cmpi ne, %rem3A, %ne3A_38 : i32
    %and3A = arith.andi %ne3A, %ne3A_39 : i1
    %sub3A = arith.constant 1 : i32
    %sub3A_40 = arith.subi %div3A, %sub3A : i32
    %select_n3A = arith.select %and3A, %sub3A_40, %div3A : i32
    %rem3A_41 = arith.constant 4096 : i32
    %rem3A_42 = arith.remsi %add3A_24, %rem3A_41 : i32
    %dma_wait3A = arith.constant 0 : i32
    %dma_wait3A_43 = tpu.memref_slice %arg4[%select_n3A, %dma_wait3A, %rem3A_42] : memref<200x64x4096xf32, #tpu.memory_space<hbm>> -> memref<1x64x128xf32, #tpu.memory_space<hbm>>
    %dma_wait3A_44 = tpu.memref_squeeze %dma_wait3A_43 : memref<1x64x128xf32, #tpu.memory_space<hbm>> -> memref<64x128xf32, #tpu.memory_space<hbm>>
    %dma_wait3A_45 = arith.constant 0 : i32
    %dma_wait3A_46 = tpu.memref_slice %arg4[%select_n3A, %dma_wait3A_45, %rem3A_42] : memref<200x64x4096xf32, #tpu.memory_space<hbm>> -> memref<1x64x128xf32, #tpu.memory_space<hbm>>
    %dma_wait3A_47 = tpu.memref_squeeze %dma_wait3A_46 : memref<1x64x128xf32, #tpu.memory_space<hbm>> -> memref<64x128xf32, #tpu.memory_space<hbm>>
    tpu.wait_dma2 semaphore(%arg16 : memref<!tpu.dma_semaphore, #tpu.memory_space<semaphore_mem>>) src(%arg10 : memref<64x128xf32, #tpu.memory_space<vmem>>) dst(%dma_wait3A_47 : memref<64x128xf32, #tpu.memory_space<hbm>>)
    %add3A_48 = arith.constant 25472 : i32
    %add3A_49 = arith.addi %mul3A_2, %add3A_48 : i32
    %jit3A_50 = arith.constant 4096 : i32
    %div3A_51 = arith.divsi %add3A_49, %jit3A_50 : i32
    %sign3A_52 = arith.constant 0 : i32
    %sign3A_53 = arith.cmpi sgt, %add3A_49, %sign3A_52 : i32
    %sign3A_54 = arith.extui %sign3A_53 : i1 to i32
    %sign3A_55 = arith.constant 0 : i32
    %sign3A_56 = arith.cmpi slt, %add3A_49, %sign3A_55 : i32
    %sign3A_57 = arith.extui %sign3A_56 : i1 to i32
    %sign3A_58 = arith.subi %sign3A_54, %sign3A_57 : i32
    %sign3A_59 = arith.constant 0 : i32
    %sign3A_60 = arith.cmpi sgt, %jit3A_50, %sign3A_59 : i32
    %sign3A_61 = arith.extui %sign3A_60 : i1 to i32
    %sign3A_62 = arith.constant 0 : i32
    %sign3A_63 = arith.cmpi slt, %jit3A_50, %sign3A_62 : i32
    %sign3A_64 = arith.extui %sign3A_63 : i1 to i32
    %sign3A_65 = arith.subi %sign3A_61, %sign3A_64 : i32
    %ne3A_66 = arith.cmpi ne, %sign3A_58, %sign3A_65 : i32
    %rem3A_67 = arith.remsi %add3A_49, %jit3A_50 : i32
    %ne3A_68 = arith.constant 0 : i32
    %ne3A_69 = arith.cmpi ne, %rem3A_67, %ne3A_68 : i32
    %and3A_70 = arith.andi %ne3A_66, %ne3A_69 : i1
    %sub3A_71 = arith.constant 1 : i32
    %sub3A_72 = arith.subi %div3A_51, %sub3A_71 : i32
    %select_n3A_73 = arith.select %and3A_70, %sub3A_72, %div3A_51 : i32
    %rem3A_74 = arith.constant 4096 : i32
    %rem3A_75 = arith.remsi %add3A_49, %rem3A_74 : i32
    %dma_wait3A_76 = arith.constant 0 : i32
    %dma_wait3A_77 = tpu.memref_slice %arg4[%select_n3A_73, %dma_wait3A_76, %rem3A_75] : memref<200x64x4096xf32, #tpu.memory_space<hbm>> -> memref<1x64x128xf32, #tpu.memory_space<hbm>>
    %dma_wait3A_78 = tpu.memref_squeeze %dma_wait3A_77 : memref<1x64x128xf32, #tpu.memory_space<hbm>> -> memref<64x128xf32, #tpu.memory_space<hbm>>
    %dma_wait3A_79 = arith.constant 0 : i32
    %dma_wait3A_80 = tpu.memref_slice %arg4[%select_n3A_73, %dma_wait3A_79, %rem3A_75] : memref<200x64x4096xf32, #tpu.memory_space<hbm>> -> memref<1x64x128xf32, #tpu.memory_space<hbm>>
    %dma_wait3A_81 = tpu.memref_squeeze %dma_wait3A_80 : memref<1x64x128xf32, #tpu.memory_space<hbm>> -> memref<64x128xf32, #tpu.memory_space<hbm>>
    tpu.wait_dma2 semaphore(%arg17 : memref<!tpu.dma_semaphore, #tpu.memory_space<semaphore_mem>>) src(%arg11 : memref<64x128xf32, #tpu.memory_space<vmem>>) dst(%dma_wait3A_81 : memref<64x128xf32, #tpu.memory_space<hbm>>)
    return
  }
}

</mosaic_0001>

<sc_bundles>
// kernel: kernel.3.cloned.1.call-start
scs
__scs_entry_jumppad:
0x0: {  	(pc) =	sbr.rel $0x88, $3  }
0x1: {  	(tag) =	ssettag $0x0;
	lr =	simm.s32 $0x1  }
0x2: {  	[smem:$0x3F9F] =	sst lr;
	_ =	strace $0xD0000000  }
0x3: {  	_ = 	snop  }
0x4: {  	_ = 	snop  }
0x5: {  	_ = 	snop  }
0x6: {  	_ = 	snop  }
0x7: {  	_ = 	snop  }
__scs_overlays_trampoline_lowered:
0x8: {  	[smem:$0x3FAE] =	sst s0  }
0x9: {  	[smem:$0x3FAF] =	sst s1  }
0xa: {  	[smem:$0x3FB0] =	sst s2  }
0xb: {  	[smem:$0x3FB1] =	sst s3  }
0xc: {  	[smem:$0x3FB2] =	sst s4  }
0xd: {  	[smem:$0x3FB3] =	sst s5  }
0xe: {  	[smem:$0x3FB4] =	sst s6  }
0xf: {  	[smem:$0x3FB5] =	sst s7  }
0x10: {  	[smem:$0x3FB6] =	sst s8  }
0x11: {  	[smem:$0x3FB7] =	sst s9;
	s0 =	simm.s32 @!p0 $0x0  }
0x12: {  	s1 =	sld [smem:$0x3F9D];
	s0 =	simm.s32 @p0 $0x1  }
0x13: {  	[smem:$0x3FB8] =	sst s0;
	s0 =	simm.s32 @!p1 $0x0  }
0x14: {  	s2 =	sld [smem:$0x3F9C];
	s0 =	simm.s32 @p1 $0x1  }
0x15: {  	[smem:$0x3FB9] =	sst s0;
	s0 =	simm.s32 @!p2 $0x0  }
0x16: {  	s3 =	sld [smem:$0x3FDB];
	s0 =	simm.s32 @p2 $0x1  }
0x17: {  	s4 =	simm.s32 $0x1BF5;
	[smem:$0x3FBB] =	sst s0  }
0x18: {  	s0 =	sld [smem:$0x3F9E];
	_ =	swait.ge [sflag:s4], $0x0  }
0x19: {  	s7 =	sld [smem:$0x3F9F]  }
0x1a: {  	s8 =	sadd.s32 $0xFFFFE003, lr  }
0x1b: {  	s9 =	sadd.s32 $0xFFFFFEF7, lr;
	s5 =	simm.s32 $0xFFFFFFFF;
	p2 =	slt.u32 s8, $0xFFFFF086  }
0x1c: {  	p1 =	slt.u32 s9, $0xF7A;
	s5 =	simm.s32 @!p2 $0x0  }
0x1d: {  	s5 =	simm.s32 @p1 $0x1;
	p0 =	seq.s32 s7, s2  }
0x1e: {  	s7 =	smul.u32 @!p0 $0xF7A, s2;
	p2 =	seq.s32 @!p0 s5, $0x0  }
0x1f: {  	s9 =	smul.u32 $0xF7A, s1;
	s8 =	simm.s32 @!p0 $0x1BF5;
	p2 =	por !p2, p0  }
0x20: {  	[sflag:s8] =	ssyncset.s32 @!p0 $0xFFFFF086;
	s6 =	sadd.s32 @!p0 s3, s7;
	s7 =	simm.s32 @!p0 $0x108  }
0x21: {  	s3 =	sadd.s32 s3, s9;
	s6 =	sadd.s32 @!p0 $0x88, s6;
	s7 =	simm.s32 @p2 $0x1082  }
0x22: {  	[simem:s7], [sflag:s8] =	dma.local @!p0 [hbm:s6], $0xF7A  }
0x23: {  	s9 =	sor.u32 $0xD0000000, s2;
	s6 =	simm.s32 $0x108;
	_ =	swait.ge @!p0 [sflag:s8], $0x0  }
0x24: {  	s3 =	sadd.s32 $0x88, s3;
	s6 =	simm.s32 @!p1 $0x1082;
	[sflag:s4] =	ssyncset.s32 $0xFFFFF086  }
0x25: {  	[simem:s6], [sflag:s4] =	dma.local [hbm:s3], $0xF7A  }
0x26: {  	[smem:$0x3F9F] =	sst s1;
	(tag) =	ssettag s2;
	_ =	strace s9  }
0x27: {  	s1 =	sld [smem:$0x3FAF]  }
0x28: {  	s2 =	sld [smem:$0x3FB0]  }
0x29: {  	s4 =	sld [smem:$0x3FB2]  }
0x2a: {  	p0 =	seq.s32 s5, $0x0;
	s5 =	sld [smem:$0x3FB3]  }
0x2b: {  	s6 =	sld [smem:$0x3FB4]  }
0x2c: {  	s7 =	sld [smem:$0x3FB5]  }
0x2d: {  	s3 =	simm.s32 $0x108;
	s8 =	sld [smem:$0x3FB6]  }
0x2e: {  	s3 =	simm.s32 @!p0 $0x1082;
	s9 =	sld [smem:$0x3FB7]  }
0x2f: {  	lr =	sadd.s32 s0, s3;
	s0 =	sld [smem:$0x3FAE]  }
0x30: {  	s3 =	sld [smem:$0x3FB1]  }
0x31: {  	[smem:$0x3FBA] =	sst s10  }
0x32: {  	s10 =	sld [smem:$0x3FB8];
	_ =	sdelay $0x3  }
0x33: {  	p0 =	seq.s32 s10, $0x1;
	s10 =	sld [smem:$0x3FBA];
	_ =	sdelay $0x3  }
0x34: {  	[smem:$0x3FBA] =	sst s10  }
0x35: {  	s10 =	sld [smem:$0x3FB9];
	_ =	sdelay $0x3  }
0x36: {  	p1 =	seq.s32 s10, $0x1;
	s10 =	sld [smem:$0x3FBA];
	_ =	sdelay $0x3  }
0x37: {  	[smem:$0x3FBA] =	sst s10  }
0x38: {  	s10 =	sld [smem:$0x3FBB]  }
0x39: {  	_ = 	snop;
	(pc) =	sbr.ind lr, $3  }
0x3a: {  	_ = 	snop  }
0x3b: {  	_ = 	snop  }
0x3c: {  	p2 =	seq.s32 s10, $0x1;
	s10 =	sld [smem:$0x3FBA]  }
0x3d: {  	_ =	shalt  }
0x3e: {  	_ =	shalt  }
0x3f: {  	_ =	shalt  }
0x40: {  	_ =	shalt  }
0x41: {  	_ =	shalt  }
0x42: {  	_ =	shalt  }
0x43: {  	_ =	shalt  }
0x44: {  	_ =	shalt  }
0x45: {  	_ =	shalt  }
0x46: {  	_ =	shalt  }
0x47: {  	_ =	shalt  }
0x48: {  	_ =	shalt  }
0x49: {  	_ =	shalt  }
0x4a: {  	_ =	shalt  }
0x4b: {  	_ =	shalt  }
0x4c: {  	_ =	shalt  }
0x4d: {  	_ =	shalt  }
0x4e: {  	_ =	shalt  }
0x4f: {  	_ =	shalt  }
0x50: {  	_ =	shalt  }
0x51: {  	_ =	shalt  }
0x52: {  	_ =	shalt  }
0x53: {  	_ =	shalt  }
0x54: {  	_ =	shalt  }
0x55: {  	_ =	shalt  }
0x56: {  	_ =	shalt  }
0x57: {  	_ =	shalt  }
0x58: {  	_ =	shalt  }
0x59: {  	_ =	shalt  }
0x5a: {  	_ =	shalt  }
0x5b: {  	_ =	shalt  }
0x5c: {  	_ =	shalt  }
0x5d: {  	_ =	shalt  }
0x5e: {  	_ =	shalt  }
0x5f: {  	_ =	shalt  }
0x60: {  	_ =	shalt  }
0x61: {  	_ =	shalt  }
0x62: {  	_ =	shalt  }
0x63: {  	_ =	shalt  }
0x64: {  	_ =	shalt  }
0x65: {  	_ =	shalt  }
0x66: {  	_ =	shalt  }
0x67: {  	_ =	shalt  }
0x68: {  	_ =	shalt  }
0x69: {  	_ =	shalt  }
0x6a: {  	_ =	shalt  }
0x6b: {  	_ =	shalt  }
0x6c: {  	_ =	shalt  }
0x6d: {  	_ =	shalt  }
0x6e: {  	_ =	shalt  }
0x6f: {  	_ =	shalt  }
0x70: {  	_ =	shalt  }
0x71: {  	_ =	shalt  }
0x72: {  	_ =	shalt  }
0x73: {  	_ =	shalt  }
0x74: {  	_ =	shalt  }
0x75: {  	_ =	shalt  }
0x76: {  	_ =	shalt  }
0x77: {  	_ =	shalt  }
0x78: {  	_ =	shalt  }
0x79: {  	_ =	shalt  }
0x7a: {  	_ =	shalt  }
0x7b: {  	_ =	shalt  }
0x7c: {  	_ =	shalt  }
0x7d: {  	_ =	shalt  }
0x7e: {  	_ =	shalt  }
0x7f: {  	_ =	shalt  }
0x80: {  	_ =	shalt  }
0x81: {  	_ =	shalt  }
0x82: {  	_ =	shalt  }
0x83: {  	_ =	shalt  }
0x84: {  	_ =	shalt  }
0x85: {  	_ =	shalt  }
0x86: {  	_ =	shalt  }
0x87: {  	_ =	shalt  }
.Lfunc_end0:
.L_simem_size_0:
called_computation_lowered:
.L_overlay_start_0:
0x88: {  	s2 =	sld [smem:$0x3FD9]  }
0x89: {  	s3 =	sld [smem:$0x3FFE];
	_ =	sdelay $0x1  }
0x8a: {  	s1 =	srdreg.scid  }
0x8b: {  	s0 =	sand.u32 $0x1, s1  }
0x8c: {  	s17 =	sshll.u32 s0, $0xA;
	s2 =	sadd.s32 s3, s2  }
0x8d: {  	s2 =	sadd.s32 s2, s17  }
0x8e: {  	[smem:$0x3FC6] =	sst s2  }
0x8f: {  	_ = 	snop  }
0x90: {  	s2 =	sld [smem:$0x3FD0];
	(tm) =	ssettm $0x1  }
0x91: {  	s18 =	sld [smem:$0x3FFB];
	_ =	sdelay $0x3  }
0x92: {  	_ =	strace s18  }
0x93: {  	s3 =	sld [smem:$0x3FFC];
	_ =	sdelay $0x3  }
0x94: {  	_ =	strace s3  }
0x95: {  	s3 =	sld [smem:$0x3FFD];
	_ =	sdelay $0x3  }
0x96: {  	_ =	strace s3  }
0x97: {  	_ =	strace $0x8FFFFFFF  }
0x98: {  	s19 =	sld [smem:$0x3FDB];
	_ =	sdelay $0x1  }
0x99: {  	s4 =	simm.s32 $_scs_section_size  }
0x9a: {  	s5 =	simm.s32 $_size__tile_overlayer_lowered;
	s6 =	simm.s32 $_tile_overlayer_lowered  }
0x9b: {  	s22 =	simm.s32 $0x1BFF;
	s21 =	sshll.u32 s6, $0x1;
	s3 =	sadd.s32 s4, s19  }
0x9c: {  	s7 =	simm.s32 $0x0;
	s20 =	sshll.u32 s5, $0x1;
	s5 =	sadd.s32 s21, s3  }
0x9d: {  	[timem:s7], [sflag:s22] =	dma.local [hbm:s5], s20  }
0x9e: {  	_ =	swait.ge [sflag:s22], s20  }
0x9f: {  	s4 =	ssub.s32 $0x0, s20;
	[sflag:s22] =	ssyncset.done $0x0  }
0xa0: {  	[sflag:s22] =	ssyncadd.s32 s4;
	_ =	sdelay $0x1  }
0xa1: {  	s23 =	simm.s32 $0x1B8B  }
0xa2: {  	_ =	swait.ge [sflag:s23], $0x1  }
0xa3: {  	[sflag:s23] =	ssyncset.done $0x0  }
0xa4: {  	s25 =	simm.s32 $0x1B8E;
	s24 =	sld [smem:$0x3FFE];
	[sflag:s23] =	ssyncadd.s32 $0xFFFFFFFF  }
0xa5: {  	s26 =	simm.s32 $execute0_lowered;
	[smem:$0x3FD2] =	sst s25  }
0xa6: {  	s5 =	sshll.u32 s26, $0x1;
	_ =	strace $0x80000046;
	[dreg:$0x1] =	wrdreg $0xFFFFFFFF  }
0xa7: {  	s28 =	simm.s32 $_size_execute0_lowered;
	s3 =	sadd.s32 s3, s5;
	[dreg:$0x0] =	wrdreg $0x0  }
0xa8: {  	s5 =	sshll.u32 s28, $0x1;
	[dreg:$0x2] =	wrdreg s3  }
0xa9: {  	[dreg:$0x3] =	wrdreg s5  }
0xaa: {  	[dreg:$0x4] =	wrdreg $0xC0  }
0xab: {  	_ =	task [dreg:s7], $0x5FFFF  }
0xac: {  	[dreg:$0x1] =	wrdreg $0xFFFFFFFF  }
0xad: {  	[dreg:$0x0] =	wrdreg $0x60  }
0xae: {  	[dreg:$0x2] =	wrdreg s2  }
0xaf: {  	[dreg:$0x3] =	wrdreg s24  }
0xb0: {  	[dreg:$0x4] =	wrdreg $0x9  }
0xb1: {  	_ =	task.clear_ibuf [dreg:s7], $0x5FFFF;
	_ =	strace $0x90000046  }
0xb2: {  	s29 =	simm.s32 $0x9;
	_ =	strace $0x80000048  }
0xb3: {  	_ =	swait.ge [sflag:s29], $0x1  }
0xb4: {  	[sflag:s29] =	ssyncadd.s32 $0xFFFFFFFF  }
0xb5: {  	_ =	strace $0x90000048  }
0xb6: {  	_ =	sfence  }
0xb7: {  	s30 =	sld [smem:$0x0];
	_ =	sdelay $0x2  }
0xb8: {  	s31 =	sshll.u32 s1, $0xD;
	s1 =	sshrl.u32 s1, $0x2  }
0xb9: {  	s3 =	sand.u32 $0x4000, s31;
	s1 =	sadd.s32 s1, s30  }
0xba: {  	s0 =	sor.u32 s3, s0;
	s1 =	sshll.u32 s1, $0x11  }
0xbb: {  	s0 =	sor.u32 s1, s0  }
0xbc: {  	s0 =	sadd.s32 $0x8F2B, s0  }
0xbd: {  	[sflag:s0] =	ssyncadd.remote.s32 $0x1  }
0xbe: {  	_ =	sfence.sel $0xFFFF  }
0xbf: {  	[dreg:$0x0] =	wrdreg $0xFFFFFFFF;
	(pc) =	sbr.abs _section_cstart, $3  }
0xc0: {  	[dreg:$0x1] =	wrdreg $0xFFFFFFFF  }
0xc1: {  	_ =	task.clear_ibuf [dreg:s7], $0x2FFFF;
	_ =	strace $0x9FFFFFFF  }
0xc2: {  	(tm) =	ssettm $0x7FFFFFFF  }
0xc3: {  	_ =	shalt  }
tec
execute0_lowered:
.L_overlay_start_1:
0x0: {  	(tag) =	ssettag $0x1  }
0x1: {  	s1 =	rddreg [dreg:$0x0]  }
0x2: {  	s2 =	srdreg.scid;
	s0 =	stileid.u32  }
0x3: {  	s5 =	rddreg [dreg:$0x1];
	s9 =	simm.s32 $0x80;
	s10 =	simm.s32 $0x6400  }
0x4: {  	s11 =	simm.s32 $0x8400;
	s12 =	simm.s32 $0x100;
	s13 =	simm.s32 $0xA400  }
0x5: {  	s14 =	simm.s32 $0xC400;
	s15 =	simm.s32 $0x1;
	s16 =	simm.s32 $0x1000  }
0x6: {  	s17 =	simm.s32 $0xE400;
	s18 =	simm.s32 $0x2;
	s19 =	simm.s32 $0x6  }
0x7: {  	s20 =	simm.s32 $0x10400;
	s21 =	simm.s32 $0x3;
	s22 =	simm.s32 $0x5  }
0x8: {  	v0 =	vlaneseq.u32;
	s23 =	simm.s32 $0x4;
	s4 =	sand.u32 $0x1, s2;
	s3 =	sshll.u32 s0, $0x1  }
0x9: {  	s24 =	simm.s32 $0x0;
	s2 =	simm.s32 $0x0;
	v0 =	vmul.u32 $0x40, v0;
	s3 =	sor.u32 s4, s3  }
0xa: {  	[smem:$0x7FF] =	sst s2;
	s6 =	ssub.s32 $0x2, s4;
	s3 =	smul.u32 $0x6400, s3  }
0xb: {  	s4 =	sadd.s32 $0xF42A00, s5;
	s5 =	sadd.s32 $0x600, s5;
	s7 =	sshrl.u32 s6, $0x1;
	v1 =	vor.u32 $0x400, v0  }
0xc: {  	_ =	strace $0x80000047;
	v2 =	vor.u32 $0x800, v0;
	v3 =	vor.u32 $0xC00, v0;
	v4 =	vor.u32 $0x1000, v0;
	s7 =	ssub.s32 s6, s7;
	s8 =	sshrl.u32 s3, $0x3  }
0xd: {  	v5 =	vor.u32 $0x1400, v0;
	v6 =	vor.u32 $0x1800, v0;
	v7 =	vor.u32 $0x1C00, v0;
	s7 =	smax.u32 s7, $0x1;
	s6 =	sadd.s32 s1, s8;
	s8 =	simm.s32 $0x7  }
.LBB2_1:
0xe: {  	[tilespmem:s2], [sflag:$0x7] =	stream.linear.gather [hbm4b:s6+s2], $0x6400, $0x38;
	[tilespmem:$0x12400] =	vst v63  }
0xf: {  	_ =	swait.ge [sflag:s8], $0x6400  }
0x10: {  	[sflag:s8] =	ssyncset.done $0x0  }
0x11: {  	[sflag:s8] =	ssyncadd.s32 $0xFFFF9C00  }
0x12: {  	[tilespmem:s10], [sflag:$0x1] =	stream.indirect.gather [hbm4b:s4+s9], $0x40, s2, s9, $0xb8;
	[tilespmem:$0x12400] =	vst v63  }
0x13: {  	_ = 	snop  }
0x14: {  	[tilespmem:s11], [sflag:$0x2] =	stream.indirect.gather [hbm4b:s4+s9], $0x40, s9, s9, $0xb8;
	[tilespmem:$0x12400] =	vst v63  }
0x15: {  	s25 =	simm.s32 $0x0  }
0x16: {  	[tilespmem:s13], [sflag:$0x3] =	stream.indirect.gather [hbm4b:s4+s9], $0x40, s12, s9, $0xb8;
	[tilespmem:$0x12400] =	vst v63  }
.LBB2_2:
0x17: {  	s1 =	sshllo.u32 s25, $0x2;
	s28 =	simm.s32 $0x0  }
0x18: {  	s26 =	sshll.u32 s1, $0x7;
	v8 =	vmov s28  }
0x19: {  	s1 =	sand.u32 $0x3FFFFF80, s26;
	v8 =	vand.u32 $0x3E, v8  }
0x1a: {  	[tilespmem:s14], [sflag:$0x4] =	stream.indirect.gather [hbm4b:s4+s9], $0x40, s1, s9, $0xb8;
	v8 =	vbroadcast v8, $0x0;
	[tilespmem:$0x12400] =	vst v63  }
0x1b: {  	_ =	swait.ge [sflag:s15], $0x2000  }
0x1c: {  	p0 =	seq.s32 s25, $0x0;
	[sflag:s15] =	ssyncset.done $0x0;
	v9 =	vor.u32 v0, v8  }
0x1d: {  	s1 =	simm.s32 @!p0 $0x5;
	[sflag:s15] =	ssyncadd.s32 $0xFFFFE000  }
0x1e: {  	_ =	swait.ge @!p0 [sflag:s1], $0x2000  }
0x1f: {  	[sflag:s1] =	ssyncset.done @!p0 $0x0  }
0x20: {  	[sflag:s1] =	ssyncadd.s32 @!p0 $0xFFFFE000  }
0x21: {  	v9 =	vld.idx.msk [tilespmem:v9+s10+$0x0], $0xffff  }
0x22: {  	v10 =	vor.u32 v1, v8;
	_ =	sdelay $0x2  }
0x23: {  	s28 =	simm.s32 $0xE480  }
0x24: {  	[tilespmem:s28+$0xFFFFFF80] =	vst v9  }
0x25: {  	v9 =	vld.idx.msk [tilespmem:v10+s10+$0x0], $0xffff  }
0x26: {  	v10 =	vor.u32 v2, v8;
	_ =	sdelay $0x3  }
0x27: {  	[tilespmem:s28+$0xFFFFFF90] =	vst v9  }
0x28: {  	v9 =	vld.idx.msk [tilespmem:v10+s10+$0x0], $0xffff  }
0x29: {  	v10 =	vor.u32 v3, v8;
	_ =	sdelay $0x3  }
0x2a: {  	[tilespmem:s28+$0xFFFFFFA0] =	vst v9  }
0x2b: {  	v9 =	vld.idx.msk [tilespmem:v10+s10+$0x0], $0xffff  }
0x2c: {  	v10 =	vor.u32 v4, v8;
	_ =	sdelay $0x3  }
0x2d: {  	[tilespmem:s28+$0xFFFFFFB0] =	vst v9  }
0x2e: {  	v9 =	vld.idx.msk [tilespmem:v10+s10+$0x0], $0xffff  }
0x2f: {  	v10 =	vor.u32 v5, v8;
	_ =	sdelay $0x3  }
0x30: {  	[tilespmem:s28+$0xFFFFFFC0] =	vst v9  }
0x31: {  	v9 =	vld.idx.msk [tilespmem:v10+s10+$0x0], $0xffff  }
0x32: {  	v10 =	vor.u32 v6, v8;
	_ =	sdelay $0x3  }
0x33: {  	[tilespmem:s28+$0xFFFFFFD0] =	vst v9  }
0x34: {  	v9 =	vld.idx.msk [tilespmem:v10+s10+$0x0], $0xffff  }
0x35: {  	v8 =	vor.u32 v7, v8  }
0x36: {  	s31 =	simm.s32 $0x1  }
0x37: {  	v10 =	vmov s31  }
0x38: {  	v10 =	vand.u32 $0x3F, v10  }
0x39: {  	v10 =	vbroadcast v10, $0x0;
	[tilespmem:s28+$0xFFFFFFE0] =	vst v9  }
0x3a: {  	v8 =	vld.idx.msk [tilespmem:v8+s10+$0x0], $0xffff  }
0x3b: {  	v9 =	vor.u32 v0, v10;
	_ =	sdelay $0x3  }
0x3c: {  	[tilespmem:s28+$0xFFFFFFF0] =	vst v8  }
0x3d: {  	v8 =	vld.idx.msk [tilespmem:v9+s10+$0x0], $0xffff  }
0x3e: {  	v9 =	vor.u32 v1, v10;
	_ =	sdelay $0x3  }
0x3f: {  	[tilespmem:s28+$0x0] =	vst v8  }
0x40: {  	v8 =	vld.idx.msk [tilespmem:v9+s10+$0x0], $0xffff  }
0x41: {  	v9 =	vor.u32 v2, v10;
	_ =	sdelay $0x3  }
0x42: {  	[tilespmem:s28+$0x10] =	vst v8  }
0x43: {  	v8 =	vld.idx.msk [tilespmem:v9+s10+$0x0], $0xffff  }
0x44: {  	v9 =	vor.u32 v3, v10;
	_ =	sdelay $0x3  }
0x45: {  	[tilespmem:s28+$0x20] =	vst v8  }
0x46: {  	v8 =	vld.idx.msk [tilespmem:v9+s10+$0x0], $0xffff  }
0x47: {  	v9 =	vor.u32 v4, v10;
	_ =	sdelay $0x3  }
0x48: {  	[tilespmem:s28+$0x30] =	vst v8  }
0x49: {  	v8 =	vld.idx.msk [tilespmem:v9+s10+$0x0], $0xffff  }
0x4a: {  	v9 =	vor.u32 v5, v10;
	_ =	sdelay $0x3  }
0x4b: {  	[tilespmem:s28+$0x40] =	vst v8  }
0x4c: {  	v8 =	vld.idx.msk [tilespmem:v9+s10+$0x0], $0xffff  }
0x4d: {  	v9 =	vor.u32 v6, v10;
	_ =	sdelay $0x3  }
0x4e: {  	[tilespmem:s28+$0x50] =	vst v8  }
0x4f: {  	v9 =	vld.idx.msk [tilespmem:v9+s10+$0x0], $0xffff  }
0x50: {  	v8 =	vor.u32 v7, v10;
	_ =	sdelay $0x1  }
0x51: {  	s29 =	simm.s32 $0x2  }
0x52: {  	s30 =	simm.s32 $0x4;
	v10 =	vmov s29  }
.LBB2_3:
0x53: {  	p1 =	sne.s32 s30, $0x3E;
	v10 =	vand.u32 $0x3E, v10;
	[tilespmem:s28+$0x60] =	vst v9  }
0x54: {  	v9 =	vbroadcast v10, $0x0;
	v8 =	vld.idx.msk [tilespmem:v8+s10+$0x0], $0xffff;
	_ =	sdelay $0x1  }
0x55: {  	v10 =	vor.u32 v0, v9;
	_ =	sdelay $0x3  }
0x56: {  	[tilespmem:s28+$0x70] =	vst v8  }
0x57: {  	v8 =	vld.idx.msk [tilespmem:v10+s10+$0x0], $0xffff;
	_ =	sdelay $0x1  }
0x58: {  	v10 =	vor.u32 v1, v9;
	_ =	sdelay $0x2  }
0x59: {  	s28 =	sadd.s32 $0x100, s28  }
0x5a: {  	[tilespmem:s28+$0xFFFFFF80] =	vst v8  }
0x5b: {  	v8 =	vld.idx.msk [tilespmem:v10+s10+$0x0], $0xffff;
	_ =	sdelay $0x1  }
0x5c: {  	v10 =	vor.u32 v2, v9;
	_ =	sdelay $0x3  }
0x5d: {  	[tilespmem:s28+$0xFFFFFF90] =	vst v8  }
0x5e: {  	v8 =	vld.idx.msk [tilespmem:v10+s10+$0x0], $0xffff;
	_ =	sdelay $0x1  }
0x5f: {  	v10 =	vor.u32 v3, v9;
	_ =	sdelay $0x3  }
0x60: {  	[tilespmem:s28+$0xFFFFFFA0] =	vst v8  }
0x61: {  	v8 =	vld.idx.msk [tilespmem:v10+s10+$0x0], $0xffff;
	_ =	sdelay $0x1  }
0x62: {  	v10 =	vor.u32 v4, v9;
	_ =	sdelay $0x3  }
0x63: {  	[tilespmem:s28+$0xFFFFFFB0] =	vst v8  }
0x64: {  	v8 =	vld.idx.msk [tilespmem:v10+s10+$0x0], $0xffff;
	_ =	sdelay $0x1  }
0x65: {  	v10 =	vor.u32 v5, v9;
	_ =	sdelay $0x3  }
0x66: {  	[tilespmem:s28+$0xFFFFFFC0] =	vst v8  }
0x67: {  	v8 =	vld.idx.msk [tilespmem:v10+s10+$0x0], $0xffff;
	_ =	sdelay $0x1  }
0x68: {  	v10 =	vor.u32 v6, v9;
	_ =	sdelay $0x3  }
0x69: {  	[tilespmem:s28+$0xFFFFFFD0] =	vst v8  }
0x6a: {  	v8 =	vld.idx.msk [tilespmem:v10+s10+$0x0], $0xffff;
	_ =	sdelay $0x1  }
0x6b: {  	v9 =	vor.u32 v7, v9;
	_ =	sdelay $0x1  }
0x6c: {  	s1 =	sadd.s32 $0x1, s29;
	s29 =	smov.u32 s30  }
0x6d: {  	v10 =	vmov s1  }
0x6e: {  	[tilespmem:s28+$0xFFFFFFE0] =	vst v8;
	v8 =	vand.u32 $0x3F, v10  }
0x6f: {  	v9 =	vld.idx.msk [tilespmem:v9+s10+$0x0], $0xffff;
	v8 =	vbroadcast v8, $0x0;
	_ =	sdelay $0x1  }
0x70: {  	v10 =	vor.u32 v0, v8;
	_ =	sdelay $0x3  }
0x71: {  	[tilespmem:s28+$0xFFFFFFF0] =	vst v9  }
0x72: {  	v9 =	vld.idx.msk [tilespmem:v10+s10+$0x0], $0xffff;
	_ =	sdelay $0x1  }
0x73: {  	v10 =	vor.u32 v1, v8;
	_ =	sdelay $0x3  }
0x74: {  	[tilespmem:s28+$0x0] =	vst v9  }
0x75: {  	v9 =	vld.idx.msk [tilespmem:v10+s10+$0x0], $0xffff;
	_ =	sdelay $0x1  }
0x76: {  	v10 =	vor.u32 v2, v8;
	_ =	sdelay $0x3  }
0x77: {  	[tilespmem:s28+$0x10] =	vst v9  }
0x78: {  	v9 =	vld.idx.msk [tilespmem:v10+s10+$0x0], $0xffff;
	_ =	sdelay $0x1  }
0x79: {  	v10 =	vor.u32 v3, v8;
	_ =	sdelay $0x3  }
0x7a: {  	[tilespmem:s28+$0x20] =	vst v9  }
0x7b: {  	v9 =	vld.idx.msk [tilespmem:v10+s10+$0x0], $0xffff;
	_ =	sdelay $0x1  }
0x7c: {  	v10 =	vor.u32 v4, v8;
	_ =	sdelay $0x3  }
0x7d: {  	[tilespmem:s28+$0x30] =	vst v9  }
0x7e: {  	v9 =	vld.idx.msk [tilespmem:v10+s10+$0x0], $0xffff;
	_ =	sdelay $0x1  }
0x7f: {  	v10 =	vor.u32 v5, v8;
	_ =	sdelay $0x3  }
0x80: {  	[tilespmem:s28+$0x40] =	vst v9  }
0x81: {  	v9 =	vld.idx.msk [tilespmem:v10+s10+$0x0], $0xffff;
	_ =	sdelay $0x1  }
0x82: {  	v10 =	vor.u32 v6, v8;
	_ =	sdelay $0x3  }
0x83: {  	[tilespmem:s28+$0x50] =	vst v9  }
0x84: {  	v9 =	vld.idx.msk [tilespmem:v10+s10+$0x0], $0xffff  }
.Ltmp0:
0x85: {  	(pc) =	sbr.rel @p1 .LBB2_3-.Ltmp0, $2  }
0x86: {  	v8 =	vor.u32 v7, v8;
	_ =	sdelay $0x2  }
0x87: {  	s30 =	sadd.s32 $0x2, s30;
	v10 =	vmov s29  }
0x88: {  	_ =	sdelay $0x1  }
0x89: {  	v10 =	vand.u32 $0x3E, v10  }
0x8a: {  	[tilespmem:s28+$0x60] =	vst v9;
	v50 =	vbroadcast v10, $0x0  }
0x8b: {  	v8 =	vld.idx.msk [tilespmem:v8+s10+$0x0], $0xffff  }
0x8c: {  	v10 =	vor.u32 v0, v50;
	_ =	sdelay $0x3  }
0x8d: {  	[tilespmem:s28+$0x70] =	vst v8  }
0x8e: {  	v8 =	vld.idx.msk [tilespmem:v10+s10+$0x0], $0xffff  }
0x8f: {  	v51 =	vor.u32 v1, v50;
	_ =	sdelay $0x2  }
0x90: {  	s1 =	sadd.s32 $0x100, s28  }
0x91: {  	[tilespmem:s1+$0xFFFFFF80] =	vst v8  }
0x92: {  	v8 =	vld.idx.msk [tilespmem:v51+s10+$0x0], $0xffff  }
0x93: {  	v52 =	vor.u32 v2, v50;
	_ =	sdelay $0x3  }
0x94: {  	[tilespmem:s1+$0xFFFFFF90] =	vst v8  }
0x95: {  	v8 =	vld.idx.msk [tilespmem:v52+s10+$0x0], $0xffff  }
0x96: {  	v53 =	vor.u32 v3, v50;
	_ =	sdelay $0x3  }
0x97: {  	[tilespmem:s1+$0xFFFFFFA0] =	vst v8  }
0x98: {  	v8 =	vld.idx.msk [tilespmem:v53+s10+$0x0], $0xffff  }
0x99: {  	v54 =	vor.u32 v4, v50;
	_ =	sdelay $0x3  }
0x9a: {  	[tilespmem:s1+$0xFFFFFFB0] =	vst v8  }
0x9b: {  	v8 =	vld.idx.msk [tilespmem:v54+s10+$0x0], $0xffff  }
0x9c: {  	v55 =	vor.u32 v5, v50;
	_ =	sdelay $0x3  }
0x9d: {  	[tilespmem:s1+$0xFFFFFFC0] =	vst v8  }
0x9e: {  	v8 =	vld.idx.msk [tilespmem:v55+s10+$0x0], $0xffff  }
0x9f: {  	v56 =	vor.u32 v6, v50;
	_ =	sdelay $0x3  }
0xa0: {  	[tilespmem:s1+$0xFFFFFFD0] =	vst v8  }
0xa1: {  	v8 =	vld.idx.msk [tilespmem:v56+s10+$0x0], $0xffff  }
0xa2: {  	v9 =	vor.u32 v7, v50  }
0xa3: {  	s28 =	sadd.s32 $0x1, s29  }
0xa4: {  	v57 =	vmov s28  }
0xa5: {  	v10 =	vand.u32 $0x3F, v57  }
0xa6: {  	[tilespmem:s1+$0xFFFFFFE0] =	vst v8;
	v8 =	vbroadcast v10, $0x0  }
0xa7: {  	v9 =	vld.idx.msk [tilespmem:v9+s10+$0x0], $0xffff  }
0xa8: {  	v10 =	vor.u32 v0, v8;
	_ =	sdelay $0x3  }
0xa9: {  	[tilespmem:s1+$0xFFFFFFF0] =	vst v9  }
0xaa: {  	v9 =	vld.idx.msk [tilespmem:v10+s10+$0x0], $0xffff  }
0xab: {  	v58 =	vor.u32 v1, v8;
	_ =	sdelay $0x3  }
0xac: {  	[tilespmem:s1+$0x0] =	vst v9  }
0xad: {  	v9 =	vld.idx.msk [tilespmem:v58+s10+$0x0], $0xffff  }
0xae: {  	v59 =	vor.u32 v2, v8;
	_ =	sdelay $0x3  }
0xaf: {  	[tilespmem:s1+$0x10] =	vst v9  }
0xb0: {  	v9 =	vld.idx.msk [tilespmem:v59+s10+$0x0], $0xffff  }
0xb1: {  	v60 =	vor.u32 v3, v8;
	_ =	sdelay $0x3  }
0xb2: {  	[tilespmem:s1+$0x20] =	vst v9  }
0xb3: {  	v9 =	vld.idx.msk [tilespmem:v60+s10+$0x0], $0xffff  }
0xb4: {  	v61 =	vor.u32 v4, v8;
	_ =	sdelay $0x3  }
0xb5: {  	[tilespmem:s1+$0x30] =	vst v9  }
0xb6: {  	v9 =	vld.idx.msk [tilespmem:v61+s10+$0x0], $0xffff  }
0xb7: {  	v62 =	vor.u32 v5, v8;
	_ =	sdelay $0x3  }
0xb8: {  	[tilespmem:s1+$0x40] =	vst v9  }
0xb9: {  	v9 =	vld.idx.msk [tilespmem:v62+s10+$0x0], $0xffff  }
0xba: {  	v63 =	vor.u32 v6, v8;
	_ =	sdelay $0x3  }
0xbb: {  	[tilespmem:s1+$0x50] =	vst v9  }
0xbc: {  	v9 =	vld.idx.msk [tilespmem:v63+s10+$0x0], $0xffff  }
0xbd: {  	v8 =	vor.u32 v7, v8;
	_ =	sdelay $0x3  }
0xbe: {  	s28 =	sshll.u32 s25, $0x9;
	[tilespmem:s1+$0x60] =	vst v9  }
0xbf: {  	s0 =	sadd.s32 s3, s28;
	v8 =	vld.idx.msk [tilespmem:v8+s10+$0x0], $0xffff  }
0xc0: {  	p1 =	sne.s32 s25, $0x31;
	s30 =	sshll.u32 s0, $0x6  }
.Ltmp1:
0xc1: {  	s29 =	sand.u32 $0xE00, s0;
	s30 =	sand.u32 $0x7FFC0000, s30;
	(pc) =	sbr.rel @p1 .LBB2_6-.Ltmp1, $4  }
0xc2: {  	s29 =	sor.u32 s29, s30  }
0xc3: {  	s29 =	sshrl.u32 s29, $0x3  }
0xc4: {  	s31 =	sadd.s32 s5, s29;
	[tilespmem:s1+$0x70] =	vst v8  }
0xc5: {  	[hbm4b:s31+s9] =	stream.strided.scatter [tilespmem:s17], [sflag:$0x5], $0x2000, s16, s9, $0x38;
	[tilespmem:$0x12400] =	vst v63  }
.Ltmp2:
0xc6: {  	(pc) =	sbr.rel .LBB2_7-.Ltmp2, $4  }
0xc7: {  	_ = 	snop  }
0xc8: {  	_ =	swait.ge [sflag:s18], $0x2000  }
0xc9: {  	[sflag:s18] =	ssyncset.done $0x0  }
0xca: {  	[sflag:s18] =	ssyncadd.s32 $0xFFFFE000  }
.LBB2_6:
0xcb: {  	s1 =	sand.u32 $0x3FFFFE00, s28  }
.Ltmp3:
0xcc: {  	s1 =	sadd.s32 $0x200, s1;
	(pc) =	sbr.rel @p0 .LBB2_8-.Ltmp3, $4  }
0xcd: {  	[tilespmem:s10], [sflag:$0x1] =	stream.indirect.gather [hbm4b:s4+s9], $0x40, s1, s9, $0xb8;
	[tilespmem:$0x12400] =	vst v63  }
0xce: {  	_ =	swait.ge [sflag:s18], $0x2000  }
0xcf: {  	[sflag:s18] =	ssyncset.done $0x0  }
0xd0: {  	[sflag:s18] =	ssyncadd.s32 $0xFFFFE000  }
.LBB2_7:
0xd1: {  	_ =	swait.ge [sflag:s19], $0x2000  }
0xd2: {  	[sflag:s19] =	ssyncset.done $0x0  }
0xd3: {  	[sflag:s19] =	ssyncadd.s32 $0xFFFFE000  }
.LBB2_8:
0xd4: {  	s1 =	simm.s32 $0x0  }
0xd5: {  	v8 =	vmov s1  }
0xd6: {  	v8 =	vand.u32 $0x3E, v8  }
0xd7: {  	v8 =	vbroadcast v8, $0x0;
	_ =	sdelay $0x1  }
0xd8: {  	v9 =	vor.u32 v0, v8;
	_ =	sdelay $0x4  }
0xd9: {  	v9 =	vld.idx.msk [tilespmem:v9+s11+$0x0], $0xffff  }
0xda: {  	v10 =	vor.u32 v1, v8;
	_ =	sdelay $0x2  }
0xdb: {  	s29 =	simm.s32 $0x10480  }
0xdc: {  	[tilespmem:s29+$0xFFFFFF80] =	vst v9  }
0xdd: {  	v9 =	vld.idx.msk [tilespmem:v10+s11+$0x0], $0xffff  }
0xde: {  	v10 =	vor.u32 v2, v8;
	_ =	sdelay $0x3  }
0xdf: {  	[tilespmem:s29+$0xFFFFFF90] =	vst v9  }
0xe0: {  	v9 =	vld.idx.msk [tilespmem:v10+s11+$0x0], $0xffff  }
0xe1: {  	v10 =	vor.u32 v3, v8;
	_ =	sdelay $0x3  }
0xe2: {  	[tilespmem:s29+$0xFFFFFFA0] =	vst v9  }
0xe3: {  	v9 =	vld.idx.msk [tilespmem:v10+s11+$0x0], $0xffff  }
0xe4: {  	v10 =	vor.u32 v4, v8;
	_ =	sdelay $0x3  }
0xe5: {  	[tilespmem:s29+$0xFFFFFFB0] =	vst v9  }
0xe6: {  	v9 =	vld.idx.msk [tilespmem:v10+s11+$0x0], $0xffff  }
0xe7: {  	v10 =	vor.u32 v5, v8;
	_ =	sdelay $0x3  }
0xe8: {  	[tilespmem:s29+$0xFFFFFFC0] =	vst v9  }
0xe9: {  	v9 =	vld.idx.msk [tilespmem:v10+s11+$0x0], $0xffff  }
0xea: {  	v10 =	vor.u32 v6, v8;
	_ =	sdelay $0x3  }
0xeb: {  	[tilespmem:s29+$0xFFFFFFD0] =	vst v9  }
0xec: {  	v9 =	vld.idx.msk [tilespmem:v10+s11+$0x0], $0xffff  }
0xed: {  	v8 =	vor.u32 v7, v8  }
0xee: {  	s0 =	simm.s32 $0x1  }
0xef: {  	v10 =	vmov s0  }
0xf0: {  	v10 =	vand.u32 $0x3F, v10  }
0xf1: {  	v10 =	vbroadcast v10, $0x0;
	[tilespmem:s29+$0xFFFFFFE0] =	vst v9  }
0xf2: {  	v8 =	vld.idx.msk [tilespmem:v8+s11+$0x0], $0xffff  }
0xf3: {  	v9 =	vor.u32 v0, v10;
	_ =	sdelay $0x3  }
0xf4: {  	[tilespmem:s29+$0xFFFFFFF0] =	vst v8  }
0xf5: {  	v8 =	vld.idx.msk [tilespmem:v9+s11+$0x0], $0xffff  }
0xf6: {  	v9 =	vor.u32 v1, v10;
	_ =	sdelay $0x3  }
0xf7: {  	[tilespmem:s29+$0x0] =	vst v8  }
0xf8: {  	v8 =	vld.idx.msk [tilespmem:v9+s11+$0x0], $0xffff  }
0xf9: {  	v9 =	vor.u32 v2, v10;
	_ =	sdelay $0x3  }
0xfa: {  	[tilespmem:s29+$0x10] =	vst v8  }
0xfb: {  	v8 =	vld.idx.msk [tilespmem:v9+s11+$0x0], $0xffff  }
0xfc: {  	v9 =	vor.u32 v3, v10;
	_ =	sdelay $0x3  }
0xfd: {  	[tilespmem:s29+$0x20] =	vst v8  }
0xfe: {  	v8 =	vld.idx.msk [tilespmem:v9+s11+$0x0], $0xffff  }
0xff: {  	v9 =	vor.u32 v4, v10;
	_ =	sdelay $0x3  }
0x100: {  	[tilespmem:s29+$0x30] =	vst v8  }
0x101: {  	v8 =	vld.idx.msk [tilespmem:v9+s11+$0x0], $0xffff  }
0x102: {  	v9 =	vor.u32 v5, v10;
	_ =	sdelay $0x3  }
0x103: {  	[tilespmem:s29+$0x40] =	vst v8  }
0x104: {  	v8 =	vld.idx.msk [tilespmem:v9+s11+$0x0], $0xffff  }
0x105: {  	v9 =	vor.u32 v6, v10;
	_ =	sdelay $0x3  }
0x106: {  	[tilespmem:s29+$0x50] =	vst v8  }
0x107: {  	v9 =	vld.idx.msk [tilespmem:v9+s11+$0x0], $0xffff  }
0x108: {  	v8 =	vor.u32 v7, v10;
	_ =	sdelay $0x1  }
0x109: {  	s30 =	simm.s32 $0x2  }
0x10a: {  	s31 =	simm.s32 $0x4;
	v10 =	vmov s30  }
.LBB2_9:
0x10b: {  	p0 =	sne.s32 s31, $0x3E;
	v10 =	vand.u32 $0x3E, v10;
	[tilespmem:s29+$0x60] =	vst v9  }
0x10c: {  	v9 =	vbroadcast v10, $0x0;
	v8 =	vld.idx.msk [tilespmem:v8+s11+$0x0], $0xffff;
	_ =	sdelay $0x1  }
0x10d: {  	v10 =	vor.u32 v0, v9;
	_ =	sdelay $0x3  }
0x10e: {  	[tilespmem:s29+$0x70] =	vst v8  }
0x10f: {  	v8 =	vld.idx.msk [tilespmem:v10+s11+$0x0], $0xffff;
	_ =	sdelay $0x1  }
0x110: {  	v10 =	vor.u32 v1, v9;
	_ =	sdelay $0x2  }
0x111: {  	s29 =	sadd.s32 $0x100, s29  }
0x112: {  	[tilespmem:s29+$0xFFFFFF80] =	vst v8  }
0x113: {  	v8 =	vld.idx.msk [tilespmem:v10+s11+$0x0], $0xffff;
	_ =	sdelay $0x1  }
0x114: {  	v10 =	vor.u32 v2, v9;
	_ =	sdelay $0x3  }
0x115: {  	[tilespmem:s29+$0xFFFFFF90] =	vst v8  }
0x116: {  	v8 =	vld.idx.msk [tilespmem:v10+s11+$0x0], $0xffff;
	_ =	sdelay $0x1  }
0x117: {  	v10 =	vor.u32 v3, v9;
	_ =	sdelay $0x3  }
0x118: {  	[tilespmem:s29+$0xFFFFFFA0] =	vst v8  }
0x119: {  	v8 =	vld.idx.msk [tilespmem:v10+s11+$0x0], $0xffff;
	_ =	sdelay $0x1  }
0x11a: {  	v10 =	vor.u32 v4, v9;
	_ =	sdelay $0x3  }
0x11b: {  	[tilespmem:s29+$0xFFFFFFB0] =	vst v8  }
0x11c: {  	v8 =	vld.idx.msk [tilespmem:v10+s11+$0x0], $0xffff;
	_ =	sdelay $0x1  }
0x11d: {  	v10 =	vor.u32 v5, v9;
	_ =	sdelay $0x3  }
0x11e: {  	[tilespmem:s29+$0xFFFFFFC0] =	vst v8  }
0x11f: {  	v8 =	vld.idx.msk [tilespmem:v10+s11+$0x0], $0xffff;
	_ =	sdelay $0x1  }
0x120: {  	v10 =	vor.u32 v6, v9;
	_ =	sdelay $0x3  }
0x121: {  	[tilespmem:s29+$0xFFFFFFD0] =	vst v8  }
0x122: {  	v8 =	vld.idx.msk [tilespmem:v10+s11+$0x0], $0xffff;
	_ =	sdelay $0x1  }
0x123: {  	v9 =	vor.u32 v7, v9;
	_ =	sdelay $0x1  }
0x124: {  	s1 =	sadd.s32 $0x1, s30;
	s30 =	smov.u32 s31  }
0x125: {  	v10 =	vmov s1  }
0x126: {  	[tilespmem:s29+$0xFFFFFFE0] =	vst v8;
	v8 =	vand.u32 $0x3F, v10  }
0x127: {  	v9 =	vld.idx.msk [tilespmem:v9+s11+$0x0], $0xffff;
	v8 =	vbroadcast v8, $0x0;
	_ =	sdelay $0x1  }
0x128: {  	v10 =	vor.u32 v0, v8;
	_ =	sdelay $0x3  }
0x129: {  	[tilespmem:s29+$0xFFFFFFF0] =	vst v9  }
0x12a: {  	v9 =	vld.idx.msk [tilespmem:v10+s11+$0x0], $0xffff;
	_ =	sdelay $0x1  }
0x12b: {  	v10 =	vor.u32 v1, v8;
	_ =	sdelay $0x3  }
0x12c: {  	[tilespmem:s29+$0x0] =	vst v9  }
0x12d: {  	v9 =	vld.idx.msk [tilespmem:v10+s11+$0x0], $0xffff;
	_ =	sdelay $0x1  }
0x12e: {  	v10 =	vor.u32 v2, v8;
	_ =	sdelay $0x3  }
0x12f: {  	[tilespmem:s29+$0x10] =	vst v9  }
0x130: {  	v9 =	vld.idx.msk [tilespmem:v10+s11+$0x0], $0xffff;
	_ =	sdelay $0x1  }
0x131: {  	v10 =	vor.u32 v3, v8;
	_ =	sdelay $0x3  }
0x132: {  	[tilespmem:s29+$0x20] =	vst v9  }
0x133: {  	v9 =	vld.idx.msk [tilespmem:v10+s11+$0x0], $0xffff;
	_ =	sdelay $0x1  }
0x134: {  	v10 =	vor.u32 v4, v8;
	_ =	sdelay $0x3  }
0x135: {  	[tilespmem:s29+$0x30] =	vst v9  }
0x136: {  	v9 =	vld.idx.msk [tilespmem:v10+s11+$0x0], $0xffff;
	_ =	sdelay $0x1  }
0x137: {  	v10 =	vor.u32 v5, v8;
	_ =	sdelay $0x3  }
0x138: {  	[tilespmem:s29+$0x40] =	vst v9  }
0x139: {  	v9 =	vld.idx.msk [tilespmem:v10+s11+$0x0], $0xffff;
	_ =	sdelay $0x1  }
0x13a: {  	v10 =	vor.u32 v6, v8;
	_ =	sdelay $0x3  }
0x13b: {  	[tilespmem:s29+$0x50] =	vst v9  }
0x13c: {  	v9 =	vld.idx.msk [tilespmem:v10+s11+$0x0], $0xffff  }
.Ltmp4:
0x13d: {  	(pc) =	sbr.rel @p0 .LBB2_9-.Ltmp4, $2  }
0x13e: {  	v8 =	vor.u32 v7, v8;
	_ =	sdelay $0x2  }
0x13f: {  	s31 =	sadd.s32 $0x2, s31;
	v10 =	vmov s30  }
0x140: {  	_ =	sdelay $0x1  }
0x141: {  	v10 =	vand.u32 $0x3E, v10  }
0x142: {  	[tilespmem:s29+$0x60] =	vst v9;
	v9 =	vbroadcast v10, $0x0  }
0x143: {  	v8 =	vld.idx.msk [tilespmem:v8+s11+$0x0], $0xffff  }
0x144: {  	v10 =	vor.u32 v0, v9;
	_ =	sdelay $0x3  }
0x145: {  	[tilespmem:s29+$0x70] =	vst v8  }
0x146: {  	v8 =	vld.idx.msk [tilespmem:v10+s11+$0x0], $0xffff  }
0x147: {  	v10 =	vor.u32 v1, v9;
	_ =	sdelay $0x2  }
0x148: {  	s1 =	sadd.s32 $0x100, s29  }
0x149: {  	[tilespmem:s1+$0xFFFFFF80] =	vst v8  }
0x14a: {  	v8 =	vld.idx.msk [tilespmem:v10+s11+$0x0], $0xffff  }
0x14b: {  	v10 =	vor.u32 v2, v9;
	_ =	sdelay $0x3  }
0x14c: {  	[tilespmem:s1+$0xFFFFFF90] =	vst v8  }
0x14d: {  	v8 =	vld.idx.msk [tilespmem:v10+s11+$0x0], $0xffff  }
0x14e: {  	v10 =	vor.u32 v3, v9;
	_ =	sdelay $0x3  }
0x14f: {  	[tilespmem:s1+$0xFFFFFFA0] =	vst v8  }
0x150: {  	v8 =	vld.idx.msk [tilespmem:v10+s11+$0x0], $0xffff  }
0x151: {  	v10 =	vor.u32 v4, v9;
	_ =	sdelay $0x3  }
0x152: {  	[tilespmem:s1+$0xFFFFFFB0] =	vst v8  }
0x153: {  	v8 =	vld.idx.msk [tilespmem:v10+s11+$0x0], $0xffff  }
0x154: {  	v10 =	vor.u32 v5, v9;
	_ =	sdelay $0x3  }
0x155: {  	[tilespmem:s1+$0xFFFFFFC0] =	vst v8  }
0x156: {  	v8 =	vld.idx.msk [tilespmem:v10+s11+$0x0], $0xffff  }
0x157: {  	v10 =	vor.u32 v6, v9;
	_ =	sdelay $0x3  }
0x158: {  	[tilespmem:s1+$0xFFFFFFD0] =	vst v8  }
0x159: {  	v8 =	vld.idx.msk [tilespmem:v10+s11+$0x0], $0xffff  }
0x15a: {  	v9 =	vor.u32 v7, v9  }
0x15b: {  	s29 =	sadd.s32 $0x1, s30  }
0x15c: {  	v10 =	vmov s29  }
0x15d: {  	v10 =	vand.u32 $0x3F, v10  }
0x15e: {  	[tilespmem:s1+$0xFFFFFFE0] =	vst v8;
	v8 =	vbroadcast v10, $0x0  }
0x15f: {  	v9 =	vld.idx.msk [tilespmem:v9+s11+$0x0], $0xffff  }
0x160: {  	v10 =	vor.u32 v0, v8;
	_ =	sdelay $0x3  }
0x161: {  	[tilespmem:s1+$0xFFFFFFF0] =	vst v9  }
0x162: {  	v9 =	vld.idx.msk [tilespmem:v10+s11+$0x0], $0xffff  }
0x163: {  	v10 =	vor.u32 v1, v8;
	_ =	sdelay $0x3  }
0x164: {  	[tilespmem:s1+$0x0] =	vst v9  }
0x165: {  	v9 =	vld.idx.msk [tilespmem:v10+s11+$0x0], $0xffff  }
0x166: {  	v10 =	vor.u32 v2, v8;
	_ =	sdelay $0x3  }
0x167: {  	[tilespmem:s1+$0x10] =	vst v9  }
0x168: {  	v9 =	vld.idx.msk [tilespmem:v10+s11+$0x0], $0xffff  }
0x169: {  	v10 =	vor.u32 v3, v8;
	_ =	sdelay $0x3  }
0x16a: {  	[tilespmem:s1+$0x20] =	vst v9  }
0x16b: {  	v9 =	vld.idx.msk [tilespmem:v10+s11+$0x0], $0xffff  }
0x16c: {  	v10 =	vor.u32 v4, v8;
	_ =	sdelay $0x3  }
0x16d: {  	[tilespmem:s1+$0x30] =	vst v9  }
0x16e: {  	v9 =	vld.idx.msk [tilespmem:v10+s11+$0x0], $0xffff  }
0x16f: {  	v10 =	vor.u32 v5, v8;
	_ =	sdelay $0x3  }
0x170: {  	[tilespmem:s1+$0x40] =	vst v9  }
0x171: {  	v9 =	vld.idx.msk [tilespmem:v10+s11+$0x0], $0xffff  }
0x172: {  	v10 =	vor.u32 v6, v8;
	_ =	sdelay $0x3  }
0x173: {  	[tilespmem:s1+$0x50] =	vst v9  }
0x174: {  	v9 =	vld.idx.msk [tilespmem:v10+s11+$0x0], $0xffff  }
0x175: {  	v8 =	vor.u32 v7, v8;
	_ =	sdelay $0x3  }
0x176: {  	s28 =	sadd.s32 s28, s3;
	[tilespmem:s1+$0x60] =	vst v9  }
0x177: {  	s29 =	sadd.s32 $0x80, s28;
	v8 =	vld.idx.msk [tilespmem:v8+s11+$0x0], $0xffff  }
0x178: {  	s30 =	sshll.u32 s29, $0x6  }
0x179: {  	s29 =	sand.u32 $0xE80, s29;
	s30 =	sand.u32 $0x7FFC0000, s30  }
0x17a: {  	s29 =	sor.u32 s29, s30  }
0x17b: {  	p0 =	seq.s32 s25, $0x31;
	s29 =	sshrl.u32 s29, $0x3  }
0x17c: {  	s30 =	simm.s32 $0x0;
	s0 =	sadd.s32 s5, s29;
	[tilespmem:s1+$0x70] =	vst v8;
	s1 =	sshll.u32 @!p0 s25, $0x9  }
0x17d: {  	[hbm4b:s0+s9] =	stream.strided.scatter [tilespmem:s20], [sflag:$0x6], $0x2000, s16, s9, $0x38;
	[tilespmem:$0x12400] =	vst v63  }
0x17e: {  	v8 =	vmov s30;
	s29 =	sand.u32 @!p0 $0x3FFFFE00, s1  }
0x17f: {  	s31 =	simm.s32 @!p0 $0x8400;
	s30 =	simm.s32 @!p0 $0x80;
	v8 =	vand.u32 $0x3E, v8;
	s1 =	sadd.s32 @!p0 $0x280, s29  }
0x180: {  	v8 =	vbroadcast v8, $0x0;
	[tilespmem:s31], [sflag:$0x2] =	stream.indirect.gather @!p0 [hbm4b:s4+s30], $0x40, s1, s30, $0xb8;
	[tilespmem:$0x12400] =	vst v63  }
0x181: {  	_ =	swait.ge [sflag:s21], $0x2000  }
0x182: {  	v9 =	vor.u32 v0, v8;
	[sflag:s21] =	ssyncset.done $0x0  }
0x183: {  	[sflag:s21] =	ssyncadd.s32 $0xFFFFE000  }
0x184: {  	_ =	swait.ge [sflag:s22], $0x2000  }
0x185: {  	[sflag:s22] =	ssyncset.done $0x0  }
0x186: {  	[sflag:s22] =	ssyncadd.s32 $0xFFFFE000  }
0x187: {  	v9 =	vld.idx.msk [tilespmem:v9+s13+$0x0], $0xffff  }
0x188: {  	v10 =	vor.u32 v1, v8;
	_ =	sdelay $0x2  }
0x189: {  	s30 =	simm.s32 $0xE480  }
0x18a: {  	[tilespmem:s30+$0xFFFFFF80] =	vst v9  }
0x18b: {  	v9 =	vld.idx.msk [tilespmem:v10+s13+$0x0], $0xffff  }
0x18c: {  	v10 =	vor.u32 v2, v8;
	_ =	sdelay $0x3  }
0x18d: {  	[tilespmem:s30+$0xFFFFFF90] =	vst v9  }
0x18e: {  	v9 =	vld.idx.msk [tilespmem:v10+s13+$0x0], $0xffff  }
0x18f: {  	v10 =	vor.u32 v3, v8;
	_ =	sdelay $0x3  }
0x190: {  	[tilespmem:s30+$0xFFFFFFA0] =	vst v9  }
0x191: {  	v9 =	vld.idx.msk [tilespmem:v10+s13+$0x0], $0xffff  }
0x192: {  	v10 =	vor.u32 v4, v8;
	_ =	sdelay $0x3  }
0x193: {  	[tilespmem:s30+$0xFFFFFFB0] =	vst v9  }
0x194: {  	v9 =	vld.idx.msk [tilespmem:v10+s13+$0x0], $0xffff  }
0x195: {  	v10 =	vor.u32 v5, v8;
	_ =	sdelay $0x3  }
0x196: {  	[tilespmem:s30+$0xFFFFFFC0] =	vst v9  }
0x197: {  	v9 =	vld.idx.msk [tilespmem:v10+s13+$0x0], $0xffff  }
0x198: {  	v10 =	vor.u32 v6, v8;
	_ =	sdelay $0x3  }
0x199: {  	[tilespmem:s30+$0xFFFFFFD0] =	vst v9  }
0x19a: {  	v9 =	vld.idx.msk [tilespmem:v10+s13+$0x0], $0xffff  }
0x19b: {  	v8 =	vor.u32 v7, v8  }
0x19c: {  	s0 =	simm.s32 $0x1  }
0x19d: {  	v10 =	vmov s0  }
0x19e: {  	v10 =	vand.u32 $0x3F, v10  }
0x19f: {  	v10 =	vbroadcast v10, $0x0;
	[tilespmem:s30+$0xFFFFFFE0] =	vst v9  }
0x1a0: {  	v8 =	vld.idx.msk [tilespmem:v8+s13+$0x0], $0xffff  }
0x1a1: {  	v9 =	vor.u32 v0, v10;
	_ =	sdelay $0x3  }
0x1a2: {  	[tilespmem:s30+$0xFFFFFFF0] =	vst v8  }
0x1a3: {  	v8 =	vld.idx.msk [tilespmem:v9+s13+$0x0], $0xffff  }
0x1a4: {  	v9 =	vor.u32 v1, v10;
	_ =	sdelay $0x3  }
0x1a5: {  	[tilespmem:s30+$0x0] =	vst v8  }
0x1a6: {  	v8 =	vld.idx.msk [tilespmem:v9+s13+$0x0], $0xffff  }
0x1a7: {  	v9 =	vor.u32 v2, v10;
	_ =	sdelay $0x3  }
0x1a8: {  	[tilespmem:s30+$0x10] =	vst v8  }
0x1a9: {  	v8 =	vld.idx.msk [tilespmem:v9+s13+$0x0], $0xffff  }
0x1aa: {  	v9 =	vor.u32 v3, v10;
	_ =	sdelay $0x3  }
0x1ab: {  	[tilespmem:s30+$0x20] =	vst v8  }
0x1ac: {  	v8 =	vld.idx.msk [tilespmem:v9+s13+$0x0], $0xffff  }
0x1ad: {  	v9 =	vor.u32 v4, v10;
	_ =	sdelay $0x3  }
0x1ae: {  	[tilespmem:s30+$0x30] =	vst v8  }
0x1af: {  	v8 =	vld.idx.msk [tilespmem:v9+s13+$0x0], $0xffff  }
0x1b0: {  	v9 =	vor.u32 v5, v10;
	_ =	sdelay $0x3  }
0x1b1: {  	[tilespmem:s30+$0x40] =	vst v8  }
0x1b2: {  	v8 =	vld.idx.msk [tilespmem:v9+s13+$0x0], $0xffff  }
0x1b3: {  	v9 =	vor.u32 v6, v10;
	_ =	sdelay $0x3  }
0x1b4: {  	[tilespmem:s30+$0x50] =	vst v8  }
0x1b5: {  	v9 =	vld.idx.msk [tilespmem:v9+s13+$0x0], $0xffff  }
0x1b6: {  	v8 =	vor.u32 v7, v10;
	_ =	sdelay $0x1  }
0x1b7: {  	s31 =	simm.s32 $0x2  }
0x1b8: {  	s1 =	simm.s32 $0x4;
	v10 =	vmov s31  }
.LBB2_11:
0x1b9: {  	p1 =	sne.s32 s1, $0x3E;
	v10 =	vand.u32 $0x3E, v10;
	[tilespmem:s30+$0x60] =	vst v9  }
0x1ba: {  	v9 =	vbroadcast v10, $0x0;
	v8 =	vld.idx.msk [tilespmem:v8+s13+$0x0], $0xffff;
	_ =	sdelay $0x1  }
0x1bb: {  	v10 =	vor.u32 v0, v9;
	_ =	sdelay $0x3  }
0x1bc: {  	[tilespmem:s30+$0x70] =	vst v8  }
0x1bd: {  	v8 =	vld.idx.msk [tilespmem:v10+s13+$0x0], $0xffff;
	_ =	sdelay $0x1  }
0x1be: {  	v10 =	vor.u32 v1, v9;
	_ =	sdelay $0x2  }
0x1bf: {  	s30 =	sadd.s32 $0x100, s30  }
0x1c0: {  	[tilespmem:s30+$0xFFFFFF80] =	vst v8  }
0x1c1: {  	v8 =	vld.idx.msk [tilespmem:v10+s13+$0x0], $0xffff;
	_ =	sdelay $0x1  }
0x1c2: {  	v10 =	vor.u32 v2, v9;
	_ =	sdelay $0x3  }
0x1c3: {  	[tilespmem:s30+$0xFFFFFF90] =	vst v8  }
0x1c4: {  	v8 =	vld.idx.msk [tilespmem:v10+s13+$0x0], $0xffff;
	_ =	sdelay $0x1  }
0x1c5: {  	v10 =	vor.u32 v3, v9;
	_ =	sdelay $0x3  }
0x1c6: {  	[tilespmem:s30+$0xFFFFFFA0] =	vst v8  }
0x1c7: {  	v8 =	vld.idx.msk [tilespmem:v10+s13+$0x0], $0xffff;
	_ =	sdelay $0x1  }
0x1c8: {  	v10 =	vor.u32 v4, v9;
	_ =	sdelay $0x3  }
0x1c9: {  	[tilespmem:s30+$0xFFFFFFB0] =	vst v8  }
0x1ca: {  	v8 =	vld.idx.msk [tilespmem:v10+s13+$0x0], $0xffff;
	_ =	sdelay $0x1  }
0x1cb: {  	v10 =	vor.u32 v5, v9;
	_ =	sdelay $0x3  }
0x1cc: {  	[tilespmem:s30+$0xFFFFFFC0] =	vst v8  }
0x1cd: {  	v8 =	vld.idx.msk [tilespmem:v10+s13+$0x0], $0xffff;
	_ =	sdelay $0x1  }
0x1ce: {  	v10 =	vor.u32 v6, v9;
	_ =	sdelay $0x3  }
0x1cf: {  	[tilespmem:s30+$0xFFFFFFD0] =	vst v8  }
0x1d0: {  	v8 =	vld.idx.msk [tilespmem:v10+s13+$0x0], $0xffff;
	_ =	sdelay $0x1  }
0x1d1: {  	v9 =	vor.u32 v7, v9;
	_ =	sdelay $0x1  }
0x1d2: {  	s0 =	sadd.s32 $0x1, s31;
	s31 =	smov.u32 s1  }
0x1d3: {  	v10 =	vmov s0  }
0x1d4: {  	[tilespmem:s30+$0xFFFFFFE0] =	vst v8;
	v8 =	vand.u32 $0x3F, v10  }
0x1d5: {  	v9 =	vld.idx.msk [tilespmem:v9+s13+$0x0], $0xffff;
	v8 =	vbroadcast v8, $0x0;
	_ =	sdelay $0x1  }
0x1d6: {  	v10 =	vor.u32 v0, v8;
	_ =	sdelay $0x3  }
0x1d7: {  	[tilespmem:s30+$0xFFFFFFF0] =	vst v9  }
0x1d8: {  	v9 =	vld.idx.msk [tilespmem:v10+s13+$0x0], $0xffff;
	_ =	sdelay $0x1  }
0x1d9: {  	v10 =	vor.u32 v1, v8;
	_ =	sdelay $0x3  }
0x1da: {  	[tilespmem:s30+$0x0] =	vst v9  }
0x1db: {  	v9 =	vld.idx.msk [tilespmem:v10+s13+$0x0], $0xffff;
	_ =	sdelay $0x1  }
0x1dc: {  	v10 =	vor.u32 v2, v8;
	_ =	sdelay $0x3  }
0x1dd: {  	[tilespmem:s30+$0x10] =	vst v9  }
0x1de: {  	v9 =	vld.idx.msk [tilespmem:v10+s13+$0x0], $0xffff;
	_ =	sdelay $0x1  }
0x1df: {  	v10 =	vor.u32 v3, v8;
	_ =	sdelay $0x3  }
0x1e0: {  	[tilespmem:s30+$0x20] =	vst v9  }
0x1e1: {  	v9 =	vld.idx.msk [tilespmem:v10+s13+$0x0], $0xffff;
	_ =	sdelay $0x1  }
0x1e2: {  	v10 =	vor.u32 v4, v8;
	_ =	sdelay $0x3  }
0x1e3: {  	[tilespmem:s30+$0x30] =	vst v9  }
0x1e4: {  	v9 =	vld.idx.msk [tilespmem:v10+s13+$0x0], $0xffff;
	_ =	sdelay $0x1  }
0x1e5: {  	v10 =	vor.u32 v5, v8;
	_ =	sdelay $0x3  }
0x1e6: {  	[tilespmem:s30+$0x40] =	vst v9  }
0x1e7: {  	v9 =	vld.idx.msk [tilespmem:v10+s13+$0x0], $0xffff;
	_ =	sdelay $0x1  }
0x1e8: {  	v10 =	vor.u32 v6, v8;
	_ =	sdelay $0x3  }
0x1e9: {  	[tilespmem:s30+$0x50] =	vst v9  }
0x1ea: {  	v9 =	vld.idx.msk [tilespmem:v10+s13+$0x0], $0xffff  }
.Ltmp5:
0x1eb: {  	(pc) =	sbr.rel @p1 .LBB2_11-.Ltmp5, $2  }
0x1ec: {  	v8 =	vor.u32 v7, v8;
	_ =	sdelay $0x2  }
0x1ed: {  	s1 =	sadd.s32 $0x2, s1;
	v10 =	vmov s31  }
0x1ee: {  	_ =	sdelay $0x1  }
0x1ef: {  	v10 =	vand.u32 $0x3E, v10  }
0x1f0: {  	[tilespmem:s30+$0x60] =	vst v9;
	v9 =	vbroadcast v10, $0x0  }
0x1f1: {  	v8 =	vld.idx.msk [tilespmem:v8+s13+$0x0], $0xffff  }
0x1f2: {  	v10 =	vor.u32 v0, v9;
	_ =	sdelay $0x3  }
0x1f3: {  	[tilespmem:s30+$0x70] =	vst v8  }
0x1f4: {  	v8 =	vld.idx.msk [tilespmem:v10+s13+$0x0], $0xffff  }
0x1f5: {  	v10 =	vor.u32 v1, v9;
	_ =	sdelay $0x2  }
0x1f6: {  	s0 =	sadd.s32 $0x100, s30  }
0x1f7: {  	[tilespmem:s0+$0xFFFFFF80] =	vst v8  }
0x1f8: {  	v8 =	vld.idx.msk [tilespmem:v10+s13+$0x0], $0xffff  }
0x1f9: {  	v10 =	vor.u32 v2, v9;
	_ =	sdelay $0x3  }
0x1fa: {  	[tilespmem:s0+$0xFFFFFF90] =	vst v8  }
0x1fb: {  	v8 =	vld.idx.msk [tilespmem:v10+s13+$0x0], $0xffff  }
0x1fc: {  	v10 =	vor.u32 v3, v9;
	_ =	sdelay $0x3  }
0x1fd: {  	[tilespmem:s0+$0xFFFFFFA0] =	vst v8  }
0x1fe: {  	v8 =	vld.idx.msk [tilespmem:v10+s13+$0x0], $0xffff  }
0x1ff: {  	v10 =	vor.u32 v4, v9;
	_ =	sdelay $0x3  }
0x200: {  	[tilespmem:s0+$0xFFFFFFB0] =	vst v8  }
0x201: {  	v8 =	vld.idx.msk [tilespmem:v10+s13+$0x0], $0xffff  }
0x202: {  	v10 =	vor.u32 v5, v9;
	_ =	sdelay $0x3  }
0x203: {  	[tilespmem:s0+$0xFFFFFFC0] =	vst v8  }
0x204: {  	v8 =	vld.idx.msk [tilespmem:v10+s13+$0x0], $0xffff  }
0x205: {  	v10 =	vor.u32 v6, v9;
	_ =	sdelay $0x3  }
0x206: {  	[tilespmem:s0+$0xFFFFFFD0] =	vst v8  }
0x207: {  	v8 =	vld.idx.msk [tilespmem:v10+s13+$0x0], $0xffff  }
0x208: {  	v9 =	vor.u32 v7, v9  }
0x209: {  	s1 =	sadd.s32 $0x1, s31  }
0x20a: {  	v10 =	vmov s1  }
0x20b: {  	v10 =	vand.u32 $0x3F, v10  }
0x20c: {  	[tilespmem:s0+$0xFFFFFFE0] =	vst v8;
	v8 =	vbroadcast v10, $0x0  }
0x20d: {  	v9 =	vld.idx.msk [tilespmem:v9+s13+$0x0], $0xffff  }
0x20e: {  	v10 =	vor.u32 v0, v8;
	_ =	sdelay $0x3  }
0x20f: {  	[tilespmem:s0+$0xFFFFFFF0] =	vst v9  }
0x210: {  	v9 =	vld.idx.msk [tilespmem:v10+s13+$0x0], $0xffff  }
0x211: {  	v10 =	vor.u32 v1, v8;
	_ =	sdelay $0x3  }
0x212: {  	[tilespmem:s0+$0x0] =	vst v9  }
0x213: {  	v9 =	vld.idx.msk [tilespmem:v10+s13+$0x0], $0xffff  }
0x214: {  	v10 =	vor.u32 v2, v8;
	_ =	sdelay $0x3  }
0x215: {  	[tilespmem:s0+$0x10] =	vst v9  }
0x216: {  	v9 =	vld.idx.msk [tilespmem:v10+s13+$0x0], $0xffff  }
0x217: {  	v10 =	vor.u32 v3, v8;
	_ =	sdelay $0x3  }
0x218: {  	[tilespmem:s0+$0x20] =	vst v9  }
0x219: {  	v9 =	vld.idx.msk [tilespmem:v10+s13+$0x0], $0xffff  }
0x21a: {  	v10 =	vor.u32 v4, v8;
	_ =	sdelay $0x3  }
0x21b: {  	[tilespmem:s0+$0x30] =	vst v9  }
0x21c: {  	v9 =	vld.idx.msk [tilespmem:v10+s13+$0x0], $0xffff  }
0x21d: {  	v10 =	vor.u32 v5, v8;
	_ =	sdelay $0x3  }
0x21e: {  	[tilespmem:s0+$0x40] =	vst v9  }
0x21f: {  	v9 =	vld.idx.msk [tilespmem:v10+s13+$0x0], $0xffff  }
0x220: {  	v10 =	vor.u32 v6, v8;
	_ =	sdelay $0x3  }
0x221: {  	[tilespmem:s0+$0x50] =	vst v9  }
0x222: {  	v9 =	vld.idx.msk [tilespmem:v10+s13+$0x0], $0xffff  }
0x223: {  	v8 =	vor.u32 v7, v8;
	_ =	sdelay $0x3  }
0x224: {  	[tilespmem:s0+$0x60] =	vst v9  }
0x225: {  	s31 =	sadd.s32 $0x100, s28;
	v8 =	vld.idx.msk [tilespmem:v8+s13+$0x0], $0xffff  }
0x226: {  	s28 =	sshll.u32 s31, $0x6  }
0x227: {  	s28 =	sand.u32 $0x7FFC0000, s28;
	s1 =	sand.u32 $0xF00, s31  }
0x228: {  	s1 =	sor.u32 s1, s28  }
0x229: {  	s1 =	sshrl.u32 s1, $0x3  }
0x22a: {  	s30 =	simm.s32 $0x0;
	s1 =	sadd.s32 s5, s1;
	[tilespmem:s0+$0x70] =	vst v8  }
0x22b: {  	v8 =	vmov s30;
	[hbm4b:s1+s9] =	stream.strided.scatter [tilespmem:s17], [sflag:$0x5], $0x2000, s16, s9, $0x38;
	[tilespmem:$0x12400] =	vst v63  }
0x22c: {  	s28 =	simm.s32 @!p0 $0xA400;
	s0 =	sadd.s32 @!p0 $0x300, s29;
	s1 =	simm.s32 @!p0 $0x80;
	v8 =	vand.u32 $0x3E, v8  }
0x22d: {  	v8 =	vbroadcast v8, $0x0;
	[tilespmem:s28], [sflag:$0x3] =	stream.indirect.gather @!p0 [hbm4b:s4+s1], $0x40, s0, s1, $0xb8;
	[tilespmem:$0x12400] =	vst v63  }
0x22e: {  	_ =	swait.ge [sflag:s23], $0x2000  }
0x22f: {  	v9 =	vor.u32 v0, v8;
	[sflag:s23] =	ssyncset.done $0x0  }
0x230: {  	[sflag:s23] =	ssyncadd.s32 $0xFFFFE000  }
0x231: {  	_ =	swait.ge [sflag:s19], $0x2000  }
0x232: {  	[sflag:s19] =	ssyncset.done $0x0  }
0x233: {  	[sflag:s19] =	ssyncadd.s32 $0xFFFFE000  }
0x234: {  	v9 =	vld.idx.msk [tilespmem:v9+s14+$0x0], $0xffff  }
0x235: {  	v10 =	vor.u32 v1, v8;
	_ =	sdelay $0x2  }
0x236: {  	s28 =	simm.s32 $0x10480  }
0x237: {  	[tilespmem:s28+$0xFFFFFF80] =	vst v9  }
0x238: {  	v9 =	vld.idx.msk [tilespmem:v10+s14+$0x0], $0xffff  }
0x239: {  	v10 =	vor.u32 v2, v8;
	_ =	sdelay $0x3  }
0x23a: {  	[tilespmem:s28+$0xFFFFFF90] =	vst v9  }
0x23b: {  	v9 =	vld.idx.msk [tilespmem:v10+s14+$0x0], $0xffff  }
0x23c: {  	v10 =	vor.u32 v3, v8;
	_ =	sdelay $0x3  }
0x23d: {  	[tilespmem:s28+$0xFFFFFFA0] =	vst v9  }
0x23e: {  	v9 =	vld.idx.msk [tilespmem:v10+s14+$0x0], $0xffff  }
0x23f: {  	v10 =	vor.u32 v4, v8;
	_ =	sdelay $0x3  }
0x240: {  	[tilespmem:s28+$0xFFFFFFB0] =	vst v9  }
0x241: {  	v9 =	vld.idx.msk [tilespmem:v10+s14+$0x0], $0xffff  }
0x242: {  	v10 =	vor.u32 v5, v8;
	_ =	sdelay $0x3  }
0x243: {  	[tilespmem:s28+$0xFFFFFFC0] =	vst v9  }
0x244: {  	v9 =	vld.idx.msk [tilespmem:v10+s14+$0x0], $0xffff  }
0x245: {  	v10 =	vor.u32 v6, v8;
	_ =	sdelay $0x3  }
0x246: {  	[tilespmem:s28+$0xFFFFFFD0] =	vst v9  }
0x247: {  	v9 =	vld.idx.msk [tilespmem:v10+s14+$0x0], $0xffff  }
0x248: {  	v8 =	vor.u32 v7, v8  }
0x249: {  	s31 =	simm.s32 $0x1  }
0x24a: {  	v10 =	vmov s31  }
0x24b: {  	v10 =	vand.u32 $0x3F, v10  }
0x24c: {  	v10 =	vbroadcast v10, $0x0;
	[tilespmem:s28+$0xFFFFFFE0] =	vst v9  }
0x24d: {  	v8 =	vld.idx.msk [tilespmem:v8+s14+$0x0], $0xffff  }
0x24e: {  	v9 =	vor.u32 v0, v10;
	_ =	sdelay $0x3  }
0x24f: {  	[tilespmem:s28+$0xFFFFFFF0] =	vst v8  }
0x250: {  	v8 =	vld.idx.msk [tilespmem:v9+s14+$0x0], $0xffff  }
0x251: {  	v9 =	vor.u32 v1, v10;
	_ =	sdelay $0x3  }
0x252: {  	[tilespmem:s28+$0x0] =	vst v8  }
0x253: {  	v8 =	vld.idx.msk [tilespmem:v9+s14+$0x0], $0xffff  }
0x254: {  	v9 =	vor.u32 v2, v10;
	_ =	sdelay $0x3  }
0x255: {  	[tilespmem:s28+$0x10] =	vst v8  }
0x256: {  	v8 =	vld.idx.msk [tilespmem:v9+s14+$0x0], $0xffff  }
0x257: {  	v9 =	vor.u32 v3, v10;
	_ =	sdelay $0x3  }
0x258: {  	[tilespmem:s28+$0x20] =	vst v8  }
0x259: {  	v8 =	vld.idx.msk [tilespmem:v9+s14+$0x0], $0xffff  }
0x25a: {  	v9 =	vor.u32 v4, v10;
	_ =	sdelay $0x3  }
0x25b: {  	[tilespmem:s28+$0x30] =	vst v8  }
0x25c: {  	v8 =	vld.idx.msk [tilespmem:v9+s14+$0x0], $0xffff  }
0x25d: {  	v9 =	vor.u32 v5, v10;
	_ =	sdelay $0x3  }
0x25e: {  	[tilespmem:s28+$0x40] =	vst v8  }
0x25f: {  	v8 =	vld.idx.msk [tilespmem:v9+s14+$0x0], $0xffff  }
0x260: {  	v9 =	vor.u32 v6, v10;
	_ =	sdelay $0x3  }
0x261: {  	[tilespmem:s28+$0x50] =	vst v8  }
0x262: {  	v9 =	vld.idx.msk [tilespmem:v9+s14+$0x0], $0xffff  }
0x263: {  	v8 =	vor.u32 v7, v10;
	_ =	sdelay $0x1  }
0x264: {  	s29 =	simm.s32 $0x2  }
0x265: {  	s1 =	simm.s32 $0x4;
	v10 =	vmov s29  }
.LBB2_13:
0x266: {  	p0 =	sne.s32 s1, $0x3E;
	v10 =	vand.u32 $0x3E, v10;
	[tilespmem:s28+$0x60] =	vst v9  }
0x267: {  	v9 =	vbroadcast v10, $0x0;
	v8 =	vld.idx.msk [tilespmem:v8+s14+$0x0], $0xffff;
	_ =	sdelay $0x1  }
0x268: {  	v10 =	vor.u32 v0, v9;
	_ =	sdelay $0x3  }
0x269: {  	[tilespmem:s28+$0x70] =	vst v8  }
0x26a: {  	v8 =	vld.idx.msk [tilespmem:v10+s14+$0x0], $0xffff;
	_ =	sdelay $0x1  }
0x26b: {  	v10 =	vor.u32 v1, v9;
	_ =	sdelay $0x2  }
0x26c: {  	s28 =	sadd.s32 $0x100, s28  }
0x26d: {  	[tilespmem:s28+$0xFFFFFF80] =	vst v8  }
0x26e: {  	v8 =	vld.idx.msk [tilespmem:v10+s14+$0x0], $0xffff;
	_ =	sdelay $0x1  }
0x26f: {  	v10 =	vor.u32 v2, v9;
	_ =	sdelay $0x3  }
0x270: {  	[tilespmem:s28+$0xFFFFFF90] =	vst v8  }
0x271: {  	v8 =	vld.idx.msk [tilespmem:v10+s14+$0x0], $0xffff;
	_ =	sdelay $0x1  }
0x272: {  	v10 =	vor.u32 v3, v9;
	_ =	sdelay $0x3  }
0x273: {  	[tilespmem:s28+$0xFFFFFFA0] =	vst v8  }
0x274: {  	v8 =	vld.idx.msk [tilespmem:v10+s14+$0x0], $0xffff;
	_ =	sdelay $0x1  }
0x275: {  	v10 =	vor.u32 v4, v9;
	_ =	sdelay $0x3  }
0x276: {  	[tilespmem:s28+$0xFFFFFFB0] =	vst v8  }
0x277: {  	v8 =	vld.idx.msk [tilespmem:v10+s14+$0x0], $0xffff;
	_ =	sdelay $0x1  }
0x278: {  	v10 =	vor.u32 v5, v9;
	_ =	sdelay $0x3  }
0x279: {  	[tilespmem:s28+$0xFFFFFFC0] =	vst v8  }
0x27a: {  	v8 =	vld.idx.msk [tilespmem:v10+s14+$0x0], $0xffff;
	_ =	sdelay $0x1  }
0x27b: {  	v10 =	vor.u32 v6, v9;
	_ =	sdelay $0x3  }
0x27c: {  	[tilespmem:s28+$0xFFFFFFD0] =	vst v8  }
0x27d: {  	v8 =	vld.idx.msk [tilespmem:v10+s14+$0x0], $0xffff;
	_ =	sdelay $0x1  }
0x27e: {  	v9 =	vor.u32 v7, v9;
	_ =	sdelay $0x1  }
0x27f: {  	s0 =	sadd.s32 $0x1, s29;
	s29 =	smov.u32 s1  }
0x280: {  	v10 =	vmov s0  }
0x281: {  	[tilespmem:s28+$0xFFFFFFE0] =	vst v8;
	v8 =	vand.u32 $0x3F, v10  }
0x282: {  	v9 =	vld.idx.msk [tilespmem:v9+s14+$0x0], $0xffff;
	v8 =	vbroadcast v8, $0x0;
	_ =	sdelay $0x1  }
0x283: {  	v10 =	vor.u32 v0, v8;
	_ =	sdelay $0x3  }
0x284: {  	[tilespmem:s28+$0xFFFFFFF0] =	vst v9  }
0x285: {  	v9 =	vld.idx.msk [tilespmem:v10+s14+$0x0], $0xffff;
	_ =	sdelay $0x1  }
0x286: {  	v10 =	vor.u32 v1, v8;
	_ =	sdelay $0x3  }
0x287: {  	[tilespmem:s28+$0x0] =	vst v9  }
0x288: {  	v9 =	vld.idx.msk [tilespmem:v10+s14+$0x0], $0xffff;
	_ =	sdelay $0x1  }
0x289: {  	v10 =	vor.u32 v2, v8;
	_ =	sdelay $0x3  }
0x28a: {  	[tilespmem:s28+$0x10] =	vst v9  }
0x28b: {  	v9 =	vld.idx.msk [tilespmem:v10+s14+$0x0], $0xffff;
	_ =	sdelay $0x1  }
0x28c: {  	v10 =	vor.u32 v3, v8;
	_ =	sdelay $0x3  }
0x28d: {  	[tilespmem:s28+$0x20] =	vst v9  }
0x28e: {  	v9 =	vld.idx.msk [tilespmem:v10+s14+$0x0], $0xffff;
	_ =	sdelay $0x1  }
0x28f: {  	v10 =	vor.u32 v4, v8;
	_ =	sdelay $0x3  }
0x290: {  	[tilespmem:s28+$0x30] =	vst v9  }
0x291: {  	v9 =	vld.idx.msk [tilespmem:v10+s14+$0x0], $0xffff;
	_ =	sdelay $0x1  }
0x292: {  	v10 =	vor.u32 v5, v8;
	_ =	sdelay $0x3  }
0x293: {  	[tilespmem:s28+$0x40] =	vst v9  }
0x294: {  	v9 =	vld.idx.msk [tilespmem:v10+s14+$0x0], $0xffff;
	_ =	sdelay $0x1  }
0x295: {  	v10 =	vor.u32 v6, v8;
	_ =	sdelay $0x3  }
0x296: {  	[tilespmem:s28+$0x50] =	vst v9  }
0x297: {  	v9 =	vld.idx.msk [tilespmem:v10+s14+$0x0], $0xffff  }
.Ltmp6:
0x298: {  	(pc) =	sbr.rel @p0 .LBB2_13-.Ltmp6, $2  }
0x299: {  	v8 =	vor.u32 v7, v8;
	_ =	sdelay $0x2  }
0x29a: {  	s1 =	sadd.s32 $0x2, s1;
	v10 =	vmov s29  }
0x29b: {  	_ =	sdelay $0x1  }
0x29c: {  	v10 =	vand.u32 $0x3E, v10  }
0x29d: {  	[tilespmem:s28+$0x60] =	vst v9;
	v50 =	vbroadcast v10, $0x0  }
0x29e: {  	v8 =	vld.idx.msk [tilespmem:v8+s14+$0x0], $0xffff  }
0x29f: {  	v10 =	vor.u32 v0, v50;
	_ =	sdelay $0x3  }
0x2a0: {  	[tilespmem:s28+$0x70] =	vst v8  }
0x2a1: {  	v8 =	vld.idx.msk [tilespmem:v10+s14+$0x0], $0xffff  }
0x2a2: {  	v51 =	vor.u32 v1, v50;
	_ =	sdelay $0x2  }
0x2a3: {  	s0 =	sadd.s32 $0x100, s28  }
0x2a4: {  	[tilespmem:s0+$0xFFFFFF80] =	vst v8  }
0x2a5: {  	v8 =	vld.idx.msk [tilespmem:v51+s14+$0x0], $0xffff  }
0x2a6: {  	v52 =	vor.u32 v2, v50;
	_ =	sdelay $0x3  }
0x2a7: {  	[tilespmem:s0+$0xFFFFFF90] =	vst v8  }
0x2a8: {  	v8 =	vld.idx.msk [tilespmem:v52+s14+$0x0], $0xffff  }
0x2a9: {  	v53 =	vor.u32 v3, v50;
	_ =	sdelay $0x3  }
0x2aa: {  	[tilespmem:s0+$0xFFFFFFA0] =	vst v8  }
0x2ab: {  	v8 =	vld.idx.msk [tilespmem:v53+s14+$0x0], $0xffff  }
0x2ac: {  	v54 =	vor.u32 v4, v50;
	_ =	sdelay $0x3  }
0x2ad: {  	[tilespmem:s0+$0xFFFFFFB0] =	vst v8  }
0x2ae: {  	v8 =	vld.idx.msk [tilespmem:v54+s14+$0x0], $0xffff  }
0x2af: {  	v55 =	vor.u32 v5, v50;
	_ =	sdelay $0x3  }
0x2b0: {  	[tilespmem:s0+$0xFFFFFFC0] =	vst v8  }
0x2b1: {  	v8 =	vld.idx.msk [tilespmem:v55+s14+$0x0], $0xffff  }
0x2b2: {  	v56 =	vor.u32 v6, v50;
	_ =	sdelay $0x3  }
0x2b3: {  	[tilespmem:s0+$0xFFFFFFD0] =	vst v8  }
0x2b4: {  	v8 =	vld.idx.msk [tilespmem:v56+s14+$0x0], $0xffff  }
0x2b5: {  	v9 =	vor.u32 v7, v50  }
0x2b6: {  	s1 =	sadd.s32 $0x1, s29  }
0x2b7: {  	v57 =	vmov s1  }
0x2b8: {  	v10 =	vand.u32 $0x3F, v57  }
0x2b9: {  	[tilespmem:s0+$0xFFFFFFE0] =	vst v8;
	v8 =	vbroadcast v10, $0x0  }
0x2ba: {  	v9 =	vld.idx.msk [tilespmem:v9+s14+$0x0], $0xffff  }
0x2bb: {  	v10 =	vor.u32 v0, v8;
	_ =	sdelay $0x3  }
0x2bc: {  	[tilespmem:s0+$0xFFFFFFF0] =	vst v9  }
0x2bd: {  	v9 =	vld.idx.msk [tilespmem:v10+s14+$0x0], $0xffff  }
0x2be: {  	v58 =	vor.u32 v1, v8;
	_ =	sdelay $0x3  }
0x2bf: {  	[tilespmem:s0+$0x0] =	vst v9  }
0x2c0: {  	v9 =	vld.idx.msk [tilespmem:v58+s14+$0x0], $0xffff  }
0x2c1: {  	v59 =	vor.u32 v2, v8;
	_ =	sdelay $0x3  }
0x2c2: {  	[tilespmem:s0+$0x10] =	vst v9  }
0x2c3: {  	v9 =	vld.idx.msk [tilespmem:v59+s14+$0x0], $0xffff  }
0x2c4: {  	v60 =	vor.u32 v3, v8;
	_ =	sdelay $0x3  }
0x2c5: {  	[tilespmem:s0+$0x20] =	vst v9  }
0x2c6: {  	v9 =	vld.idx.msk [tilespmem:v60+s14+$0x0], $0xffff  }
0x2c7: {  	v61 =	vor.u32 v4, v8;
	_ =	sdelay $0x3  }
0x2c8: {  	[tilespmem:s0+$0x30] =	vst v9  }
0x2c9: {  	v9 =	vld.idx.msk [tilespmem:v61+s14+$0x0], $0xffff  }
0x2ca: {  	v62 =	vor.u32 v5, v8;
	_ =	sdelay $0x3  }
0x2cb: {  	[tilespmem:s0+$0x40] =	vst v9  }
0x2cc: {  	v9 =	vld.idx.msk [tilespmem:v62+s14+$0x0], $0xffff  }
0x2cd: {  	v63 =	vor.u32 v6, v8;
	_ =	sdelay $0x3  }
0x2ce: {  	[tilespmem:s0+$0x50] =	vst v9  }
0x2cf: {  	v9 =	vld.idx.msk [tilespmem:v63+s14+$0x0], $0xffff  }
0x2d0: {  	v8 =	vor.u32 v7, v8;
	_ =	sdelay $0x3  }
0x2d1: {  	[tilespmem:s0+$0x60] =	vst v9  }
0x2d2: {  	s30 =	sadd.s32 s3, s26;
	s25 =	sadd.s32 $0x1, s25;
	v8 =	vld.idx.msk [tilespmem:v8+s14+$0x0], $0xffff  }
0x2d3: {  	s26 =	sshll.u32 s30, $0x6;
	p0 =	sne.s32 s25, $0x32  }
.Ltmp7:
0x2d4: {  	s1 =	sand.u32 $0xF80, s30;
	s26 =	sand.u32 $0x7FFC0000, s26;
	(pc) =	sbr.rel @p0 .LBB2_2-.Ltmp7, $4  }
0x2d5: {  	s1 =	sor.u32 s1, s26  }
0x2d6: {  	s1 =	sshrl.u32 s1, $0x3  }
0x2d7: {  	s31 =	sadd.s32 s5, s1;
	[tilespmem:s0+$0x70] =	vst v8  }
0x2d8: {  	[hbm4b:s31+s9] =	stream.strided.scatter [tilespmem:s20], [sflag:$0x6], $0x2000, s16, s9, $0x38;
	[tilespmem:$0x12400] =	vst v63  }
0x2d9: {  	s24 =	sadd.s32 $0x1, s24  }
0x2da: {  	_ =	swait.ge [sflag:s22], $0x2000;
	p0 =	sne.s32 s24, s7  }
.Ltmp8:
0x2db: {  	[sflag:s22] =	ssyncset.done $0x0;
	(pc) =	sbr.rel @p0 .LBB2_1-.Ltmp8, $4  }
0x2dc: {  	[sflag:s22] =	ssyncadd.s32 $0xFFFFE000  }
0x2dd: {  	_ =	swait.ge [sflag:s19], $0x2000  }
0x2de: {  	[sflag:s19] =	ssyncset.done $0x0  }
0x2df: {  	[sflag:s19] =	ssyncadd.s32 $0xFFFFE000  }
0x2e0: {  	_ =	sfence.sel $0x180000  }
0x2e1: {  	[bflag:$0x0] =	sbarrier.arrive $0xFFFF  }
0x2e2: {  	_ =	strace $0x90000047  }
0x2e3: {  	s0 =	stileid.u32;
	[bflag:$0x2] =	sbarrier.arrive $0xFFFF  }
0x2e4: {  	p0 =	sne.s32 s0, $0x0;
	s0 =	rddreg [dreg:$0x2]  }
0x2e5: {  	s0 =	sadd.s32 @!p0 $0x100000, s0  }
0x2e6: {  	[sflag:s0] =	ssyncadd.tile.s32 @!p0 $0x1;
	_ =	shalt  }
.Lfunc_end2:
_tile_overlayer_lowered:
.L_overlay_start_2:
0x2e7: {  	(tag) =	ssettag $0x2  }
0x2e8: {  	s0 =	rddreg [dreg:$0x0];
	s2 =	stileid.u32  }
0x2e9: {  	s1 =	rddreg [dreg:$0x1];
	p0 =	sne.s32 s2, $0x0  }
0x2ea: {  	s3 =	rddreg [dreg:$0x2];
	[bflag:$0x3] =	sbarrier.arrive $0xFFFF;
	s2 =	simm.s32 @!p0 $0x1C07  }
0x2eb: {  	[timem:s3], [sflag:s2] =	dma.local @!p0 [hbm:s0], s1  }
0x2ec: {  	s0 =	simm.s32 @!p0 $0x7  }
0x2ed: {  	_ =	swait.ge @!p0 [sflag:s0], s1  }
0x2ee: {  	s1 =	ssub.s32 @!p0 $0x0, s1;
	[sflag:s0] =	ssyncset.done @!p0 $0x0  }
0x2ef: {  	[sflag:s0] =	ssyncadd.s32 @!p0 s1  }
0x2f0: {  	[bflag:$0x3] =	sbarrier.arrive $0xFFFF  }
0x2f1: {  	_ =	shalt  }

</sc_bundles>
